<compile_context>
chip_gen: v7x
topology: tpu7x:2x2x1
jax: 0.10.2.dev20260603
libtpu: 0.0.44.dev20260713+nightly
codegen_flags: <defaults>
</compile_context>

<pallas_src>
import jax
import jax.numpy as jnp
from jax import lax
from jax.experimental import pallas as pl
from jax.experimental.pallas import tpu as pltpu
from jax.experimental.pallas import tpu_sc as plsc

B = 16384
N_DENSE = 13
NF = 26
VOCAB = 100000
ED = 16
NCOL = N_DENSE + NF

VOCAB_PAD = 98 * 1024
S_LEN = NF * VOCAB_PAD

NC, NS, L = 2, 16, 16
NW = NC * NS
RPW = B // NW
NIDX = RPW * NF
SEG = 128
NSEG_F = RPW // SEG
GRP = RPW // L


def _rowsum_body(x_ref, o_ref):
  o_ref[...] = jnp.sum(x_ref[...], axis=1).reshape(-1)


FB = 2


def _rowsum(emb_t):
  return pl.pallas_call(
      _rowsum_body,
      grid=(NF // FB,),
      in_specs=[pl.BlockSpec((FB, ED, VOCAB_PAD), lambda f: (f, 0, 0))],
      out_specs=pl.BlockSpec((FB * VOCAB_PAD,), lambda f: (f,)),
      out_shape=jax.ShapeDtypeStruct((S_LEN,), jnp.float32),
  )(emb_t)


def _sc_build_body(inpt_hbm, w_hbm, bias_hbm, ids_hbm, part_hbm,
                   inp_v, idx_v, outb, wv, bv):
  wid = lax.axis_index("s") * NC + lax.axis_index("c")
  base = wid * RPW
  pltpu.sync_copy(inpt_hbm.at[:, pl.ds(base, RPW)], inp_v)
  pltpu.sync_copy(w_hbm, wv)
  pltpu.sync_copy(bias_hbm, bv)

  def build_field(f, carry):
    off = f * VOCAB_PAD

    def chunk4(c, c2):
      for u in range(4):
        o = (c * 4 + u) * L
        idx_v[pl.ds(f * RPW + o, L)] = (
            inp_v[N_DENSE + f, pl.ds(o, L)].astype(jnp.int32) + off)
      return c2

    lax.fori_loop(0, GRP // 4, chunk4, 0)
    return carry

  lax.fori_loop(0, NF, build_field, 0)
  pltpu.sync_copy(idx_v, ids_hbm.at[pl.ds(wid * NIDX, NIDX)])

  bvec = bv[...]

  def dense_stage(g, c):
    out_vec = bvec
    for k in range(N_DENSE):
      out_vec = out_vec + inp_v[k, pl.ds(g * L, L)] * wv[k, :]
    outb[pl.ds(g * L, L)] = out_vec
    return c

  lax.fori_loop(0, GRP, dense_stage, 0)
  pltpu.sync_copy(outb, part_hbm.at[pl.ds(base, RPW)])


def _sc_gather_body(ids_hbm, s_hbm, part_hbm, out_hbm,
                    idx_v, gbuf, outb, sem):
  wid = lax.axis_index("s") * NC + lax.axis_index("c")
  base = wid * RPW
  pltpu.sync_copy(ids_hbm.at[pl.ds(wid * NIDX, NIDX)], idx_v)

  def issue(m, c):
    o = m * SEG
    pltpu.async_copy(s_hbm.at[idx_v.at[pl.ds(o, SEG)]],
                     gbuf.at[pl.ds(o, SEG)], sem)
    return c

  lax.fori_loop(0, NIDX // SEG, issue, 0)
  pltpu.sync_copy(part_hbm.at[pl.ds(base, RPW)], outb)
  pltpu.make_async_copy(s_hbm.at[pl.ds(0, NIDX)], gbuf, sem).wait()

  def grp_stage(g, c):
    out_vec = outb[pl.ds(g * L, L)]
    for p in range(NF):
      out_vec = out_vec + gbuf[pl.ds(p * RPW + g * L, L)]
    outb[pl.ds(g * L, L)] = out_vec
    return c

  lax.fori_loop(0, GRP, grp_stage, 0)
  pltpu.sync_copy(outb, out_hbm.at[pl.ds(base, RPW)])


def kernel(inputs, emb_tables, dense_weight, bias):
  s_flat = _rowsum(emb_tables.transpose(0, 2, 1))
  w_bcast = jnp.broadcast_to(dense_weight, (N_DENSE, L))
  bias_vec = jnp.broadcast_to(bias, (L,))

  mesh = plsc.VectorSubcoreMesh(core_axis_name="c", subcore_axis_name="s")
  cparams = pltpu.CompilerParams(
      needs_layout_passes=False, use_tc_tiling_on_sc=False)

  ids, partial = pl.kernel(
      _sc_build_body,
      out_type=(jax.ShapeDtypeStruct((NW * NIDX,), jnp.int32),
                jax.ShapeDtypeStruct((B,), jnp.float32)),
      mesh=mesh,
      compiler_params=cparams,
      scratch_types=[
          pltpu.VMEM((NCOL, RPW), jnp.float32),
          pltpu.VMEM((NIDX,), jnp.int32),
          pltpu.VMEM((RPW,), jnp.float32),
          pltpu.VMEM((N_DENSE, L), jnp.float32),
          pltpu.VMEM((L,), jnp.float32),
      ],
  )(inputs.T, w_bcast, bias_vec)

  out = pl.kernel(
      _sc_gather_body,
      out_type=jax.ShapeDtypeStruct((B,), jnp.float32),
      mesh=mesh,
      compiler_params=cparams,
      scratch_types=[
          pltpu.VMEM((NIDX,), jnp.int32),
          pltpu.VMEM((NIDX,), jnp.float32),
          pltpu.VMEM((RPW,), jnp.float32),
          pltpu.SemaphoreType.DMA,
      ],
  )(ids, s_flat, partial)
  return out[:, None]

# --- scband reference (transcript-rebuilt; emitter-appended) ---
"""Pipeline reference for scband-linear-3221225472058 (READ-ONLY COPY).

The authoritative reference and input builder live on the scoring server;
editing this copy changes nothing except your own understanding.
"""

import jax, jax.numpy as jnp
import numpy as np

B = 16384
N_DENSE = 13
N_SPARSE = 26
VOCAB = 100000
EMB_DIM = 16

def setup_inputs(seed: int = 0) -> dict:
    key = jax.random.key(seed)
    k1, k2, k3, k4 = jax.random.split(key, 4)
    dense = jax.random.uniform(k1, (B, N_DENSE), dtype=jnp.float32)
    sparse_idx = jax.random.randint(k2, (B, N_SPARSE), 0, VOCAB)
    inputs = jnp.concatenate([dense, sparse_idx.astype(jnp.float32)], axis=1)
    # learned params: one embedding table per sparse field (all same vocab/dim -> stacked),
    # dense linear weight, bias
    emb_tables = 0.0001 * jax.random.normal(k3, (N_SPARSE, VOCAB, EMB_DIM), dtype=jnp.float32)
    dense_weight = 0.0001 * jax.random.normal(k4, (N_DENSE, 1), dtype=jnp.float32)
    bias = jnp.zeros((1,), dtype=jnp.float32)
    return {"inputs": inputs, "emb_tables": emb_tables, "dense_weight": dense_weight, "bias": bias}

def reference(inputs, emb_tables, dense_weight, bias):
    # dense_value_list: slices [B,1] each -> concatenated [B, N_DENSE]
    dense_vals = inputs[:, :N_DENSE]
    # sparse_embedding_list: each slice [B,1].long() -> embedding [B,1,EMB_DIM]
    idx = inputs[:, N_DENSE:N_DENSE + N_SPARSE].astype(jnp.int32)  # [B, N_SPARSE]
    field_ids = jnp.arange(N_SPARSE)[None, :]
    emb = emb_tables[field_ids, idx]  # gather -> [B, N_SPARSE, EMB_DIM]
    # torch: cat along dim=-1 of [B,1,EMB_DIM] pieces -> [B,1,N_SPARSE*EMB_DIM]; sum(dim=-1) -> [B,1]
    sparse_feat_logit = jnp.sum(emb, axis=(1, 2))[:, None]  # [B,1]
    dense_value_logit = dense_vals @ dense_weight  # [B,1]
    linear_logit = jnp.zeros((inputs.shape[0], 1), dtype=jnp.float32)
    linear_logit = linear_logit + sparse_feat_logit + dense_value_logit + bias
    return linear_logit

if __name__ == "__main__":
    import jax
    _d = setup_inputs()
    print(jax.jit(kernel)(*tuple(_d.values())))

</pallas_src>

<mosaic_0001>
#map = affine_map<(d0, d1) -> (0, 0)>
#map1 = affine_map<(d0, d1) -> (0)>
module attributes {stable_mosaic.version = 14 : i64} {
  func.func @_sc_build_body(%arg0: i32, %arg1: i32, %arg2: memref<39x16384xf32, #tpu.memory_space<hbm>>, %arg3: memref<13x16xf32, #tpu.memory_space<hbm>>, %arg4: memref<16xf32, #tpu.memory_space<hbm>>, %arg5: memref<425984xi32, #tpu.memory_space<hbm>>, %arg6: memref<16384xf32, #tpu.memory_space<hbm>>, %arg7: memref<39x512xf32, #tpu.memory_space<vmem>>, %arg8: memref<13312xi32, #tpu.memory_space<vmem>>, %arg9: memref<512xf32, #tpu.memory_space<vmem>>, %arg10: memref<13x16xf32, #tpu.memory_space<vmem>>, %arg11: memref<16xf32, #tpu.memory_space<vmem>>) attributes {dimension_semantics = [#tpu.dimension_semantics<core_parallel>, #tpu.dimension_semantics<subcore_parallel>], iteration_bounds = array<i64: 2, 16>, scalar_prefetch = 0 : i64, scratch_operands = 5 : i64, tpu.core_type = #tpu.core_type<sc_vector_subcore>, window_params = [{transform_indices = #map}, {transform_indices = #map}, {transform_indices = #map1}, {transform_indices = #map1}, {transform_indices = #map1}]} {
    %mul3A = arith.constant 2 : i32
    %mul3A_0 = arith.muli %arg1, %mul3A : i32
    %add3A = arith.addi %mul3A_0, %arg0 : i32
    %mul3A_1 = arith.constant 512 : i32
    %mul3A_2 = arith.muli %add3A, %mul3A_1 : i32
    "tpu.region"() ({
      %run_scoped3A = tpu.sem_alloc : memref<!tpu.dma_semaphore, #tpu.memory_space<semaphore_mem>>
      %dma_start3A = arith.constant 0 : i32
      %dma_start3A_17 = tpu.memref_slice %arg2[%dma_start3A, %mul3A_2] : memref<39x16384xf32, #tpu.memory_space<hbm>> -> memref<39x512xf32, #tpu.memory_space<hbm>>
      %dma_start3A_18 = arith.constant 0 : i32
      %dma_start3A_19 = tpu.memref_slice %arg2[%dma_start3A_18, %mul3A_2] : memref<39x16384xf32, #tpu.memory_space<hbm>> -> memref<39x512xf32, #tpu.memory_space<hbm>>
      tpu.enqueue_dma source(%dma_start3A_19 : memref<39x512xf32, #tpu.memory_space<hbm>>) target(%arg7 : memref<39x512xf32, #tpu.memory_space<vmem>>) target_semaphore(%run_scoped3A : memref<!tpu.dma_semaphore, #tpu.memory_space<semaphore_mem>>)
      %dma_wait3A = arith.constant 0 : i32
      %dma_wait3A_20 = tpu.memref_slice %arg2[%dma_wait3A, %mul3A_2] : memref<39x16384xf32, #tpu.memory_space<hbm>> -> memref<39x512xf32, #tpu.memory_space<hbm>>
      %dma_wait3A_21 = arith.constant 0 : i32
      %dma_wait3A_22 = tpu.memref_slice %arg2[%dma_wait3A_21, %mul3A_2] : memref<39x16384xf32, #tpu.memory_space<hbm>> -> memref<39x512xf32, #tpu.memory_space<hbm>>
      tpu.wait_dma2 semaphore(%run_scoped3A : memref<!tpu.dma_semaphore, #tpu.memory_space<semaphore_mem>>) src(%dma_wait3A_22 : memref<39x512xf32, #tpu.memory_space<hbm>>) dst(%arg7 : memref<39x512xf32, #tpu.memory_space<vmem>>)
      tpu.yield
    }) : () -> ()
    "tpu.region"() ({
      %run_scoped3A = tpu.sem_alloc : memref<!tpu.dma_semaphore, #tpu.memory_space<semaphore_mem>>
      tpu.enqueue_dma source(%arg3 : memref<13x16xf32, #tpu.memory_space<hbm>>) target(%arg10 : memref<13x16xf32, #tpu.memory_space<vmem>>) target_semaphore(%run_scoped3A : memref<!tpu.dma_semaphore, #tpu.memory_space<semaphore_mem>>)
      tpu.wait_dma2 semaphore(%run_scoped3A : memref<!tpu.dma_semaphore, #tpu.memory_space<semaphore_mem>>) src(%arg3 : memref<13x16xf32, #tpu.memory_space<hbm>>) dst(%arg10 : memref<13x16xf32, #tpu.memory_space<vmem>>)
      tpu.yield
    }) : () -> ()
    "tpu.region"() ({
      %run_scoped3A = tpu.sem_alloc : memref<!tpu.dma_semaphore, #tpu.memory_space<semaphore_mem>>
      tpu.enqueue_dma source(%arg4 : memref<16xf32, #tpu.memory_space<hbm>>) target(%arg11 : memref<16xf32, #tpu.memory_space<vmem>>) target_semaphore(%run_scoped3A : memref<!tpu.dma_semaphore, #tpu.memory_space<semaphore_mem>>)
      tpu.wait_dma2 semaphore(%run_scoped3A : memref<!tpu.dma_semaphore, #tpu.memory_space<semaphore_mem>>) src(%arg4 : memref<16xf32, #tpu.memory_space<hbm>>) dst(%arg11 : memref<16xf32, #tpu.memory_space<vmem>>)
      tpu.yield
    }) : () -> ()
    %scan3A = arith.constant 0 : i32
    %scan3A_3 = arith.constant 0 : i32
    %scan3A_4 = arith.constant 26 : i32
    %scan3A_5 = arith.addi %scan3A_3, %scan3A_4 : i32
    %scan3A_6 = arith.constant 1 : i32
    scf.for %scan3A_17 = %scan3A_3 to %scan3A_5 step %scan3A_6  : i32 {
      %mul3A_18 = arith.constant 100352 : i32
      %mul3A_19 = arith.muli %scan3A_17, %mul3A_18 : i32
      %scan3A_20 = arith.constant 0 : i32
      %scan3A_21 = arith.constant 0 : i32
      %scan3A_22 = arith.constant 8 : i32
      %scan3A_23 = arith.addi %scan3A_21, %scan3A_22 : i32
      %scan3A_24 = arith.constant 1 : i32
      scf.for %scan3A_26 = %scan3A_21 to %scan3A_23 step %scan3A_24  : i32 {
        %mul3A_27 = arith.constant 4 : i32
        %mul3A_28 = arith.muli %scan3A_26, %mul3A_27 : i32
        %add3A_29 = arith.constant 0 : i32
        %add3A_30 = arith.addi %mul3A_28, %add3A_29 : i32
        %mul3A_31 = arith.constant 16 : i32
        %mul3A_32 = arith.muli %add3A_30, %mul3A_31 : i32
        %add3A_33 = arith.constant 13 : i32
        %add3A_34 = arith.addi %add3A_33, %scan3A_17 : i32
        %get3A_35 = arith.index_cast %add3A_34 : i32 to index
        %get3A_36 = arith.index_cast %mul3A_32 : i32 to index
        %get3A_37 = tpu.vector_load %arg7[%get3A_35, %get3A_36] {strides = array<i32>} : memref<39x512xf32, #tpu.memory_space<vmem>>, vector<16xf32>,
        %convert_element_type3A = arith.fptosi %get3A_37 : vector<16xf32> to vector<16xi32>
        %add3A_38 = vector.broadcast %mul3A_19 : i32 to vector<16xi32>
        %add3A_39 = arith.addi %convert_element_type3A, %add3A_38 : vector<16xi32>
        %mul3A_40 = arith.constant 512 : i32
        %mul3A_41 = arith.muli %scan3A_17, %mul3A_40 : i32
        %add3A_42 = arith.addi %mul3A_41, %mul3A_32 : i32
        %swap3A = arith.index_cast %add3A_42 : i32 to index
        %swap3A_43 = tpu.vector_load %arg8[%swap3A] {strides = array<i32>} : memref<13312xi32, #tpu.memory_space<vmem>>, vector<16xi32>,
        tpu.vector_store %arg8[%swap3A], %add3A_39 {strides = array<i32>} : memref<13312xi32, #tpu.memory_space<vmem>>, vector<16xi32>,
        %mul3A_44 = arith.constant 4 : i32
        %mul3A_45 = arith.muli %scan3A_26, %mul3A_44 : i32
        %add3A_46 = arith.constant 1 : i32
        %add3A_47 = arith.addi %mul3A_45, %add3A_46 : i32
        %mul3A_48 = arith.constant 16 : i32
        %mul3A_49 = arith.muli %add3A_47, %mul3A_48 : i32
        %add3A_50 = arith.constant 13 : i32
        %add3A_51 = arith.addi %add3A_50, %scan3A_17 : i32
        %get3A_52 = arith.index_cast %add3A_51 : i32 to index
        %get3A_53 = arith.index_cast %mul3A_49 : i32 to index
        %get3A_54 = tpu.vector_load %arg7[%get3A_52, %get3A_53] {strides = array<i32>} : memref<39x512xf32, #tpu.memory_space<vmem>>, vector<16xf32>,
        %convert_element_type3A_55 = arith.fptosi %get3A_54 : vector<16xf32> to vector<16xi32>
        %add3A_56 = vector.broadcast %mul3A_19 : i32 to vector<16xi32>
        %add3A_57 = arith.addi %convert_element_type3A_55, %add3A_56 : vector<16xi32>
        %mul3A_58 = arith.constant 512 : i32
        %mul3A_59 = arith.muli %scan3A_17, %mul3A_58 : i32
        %add3A_60 = arith.addi %mul3A_59, %mul3A_49 : i32
        %swap3A_61 = arith.index_cast %add3A_60 : i32 to index
        %swap3A_62 = tpu.vector_load %arg8[%swap3A_61] {strides = array<i32>} : memref<13312xi32, #tpu.memory_space<vmem>>, vector<16xi32>,
        tpu.vector_store %arg8[%swap3A_61], %add3A_57 {strides = array<i32>} : memref<13312xi32, #tpu.memory_space<vmem>>, vector<16xi32>,
        %mul3A_63 = arith.constant 4 : i32
        %mul3A_64 = arith.muli %scan3A_26, %mul3A_63 : i32
        %add3A_65 = arith.constant 2 : i32
        %add3A_66 = arith.addi %mul3A_64, %add3A_65 : i32
        %mul3A_67 = arith.constant 16 : i32
        %mul3A_68 = arith.muli %add3A_66, %mul3A_67 : i32
        %add3A_69 = arith.constant 13 : i32
        %add3A_70 = arith.addi %add3A_69, %scan3A_17 : i32
        %get3A_71 = arith.index_cast %add3A_70 : i32 to index
        %get3A_72 = arith.index_cast %mul3A_68 : i32 to index
        %get3A_73 = tpu.vector_load %arg7[%get3A_71, %get3A_72] {strides = array<i32>} : memref<39x512xf32, #tpu.memory_space<vmem>>, vector<16xf32>,
        %convert_element_type3A_74 = arith.fptosi %get3A_73 : vector<16xf32> to vector<16xi32>
        %add3A_75 = vector.broadcast %mul3A_19 : i32 to vector<16xi32>
        %add3A_76 = arith.addi %convert_element_type3A_74, %add3A_75 : vector<16xi32>
        %mul3A_77 = arith.constant 512 : i32
        %mul3A_78 = arith.muli %scan3A_17, %mul3A_77 : i32
        %add3A_79 = arith.addi %mul3A_78, %mul3A_68 : i32
        %swap3A_80 = arith.index_cast %add3A_79 : i32 to index
        %swap3A_81 = tpu.vector_load %arg8[%swap3A_80] {strides = array<i32>} : memref<13312xi32, #tpu.memory_space<vmem>>, vector<16xi32>,
        tpu.vector_store %arg8[%swap3A_80], %add3A_76 {strides = array<i32>} : memref<13312xi32, #tpu.memory_space<vmem>>, vector<16xi32>,
        %mul3A_82 = arith.constant 4 : i32
        %mul3A_83 = arith.muli %scan3A_26, %mul3A_82 : i32
        %add3A_84 = arith.constant 3 : i32
        %add3A_85 = arith.addi %mul3A_83, %add3A_84 : i32
        %mul3A_86 = arith.constant 16 : i32
        %mul3A_87 = arith.muli %add3A_85, %mul3A_86 : i32
        %add3A_88 = arith.constant 13 : i32
        %add3A_89 = arith.addi %add3A_88, %scan3A_17 : i32
        %get3A_90 = arith.index_cast %add3A_89 : i32 to index
        %get3A_91 = arith.index_cast %mul3A_87 : i32 to index
        %get3A_92 = tpu.vector_load %arg7[%get3A_90, %get3A_91] {strides = array<i32>} : memref<39x512xf32, #tpu.memory_space<vmem>>, vector<16xf32>,
        %convert_element_type3A_93 = arith.fptosi %get3A_92 : vector<16xf32> to vector<16xi32>
        %add3A_94 = vector.broadcast %mul3A_19 : i32 to vector<16xi32>
        %add3A_95 = arith.addi %convert_element_type3A_93, %add3A_94 : vector<16xi32>
        %mul3A_96 = arith.constant 512 : i32
        %mul3A_97 = arith.muli %scan3A_17, %mul3A_96 : i32
        %add3A_98 = arith.addi %mul3A_97, %mul3A_87 : i32
        %swap3A_99 = arith.index_cast %add3A_98 : i32 to index
        %swap3A_100 = tpu.vector_load %arg8[%swap3A_99] {strides = array<i32>} : memref<13312xi32, #tpu.memory_space<vmem>>, vector<16xi32>,
        tpu.vector_store %arg8[%swap3A_99], %add3A_95 {strides = array<i32>} : memref<13312xi32, #tpu.memory_space<vmem>>, vector<16xi32>,
      }
      %scan3A_25 = arith.constant 8 : i32
    }
    %scan3A_7 = arith.constant 26 : i32
    %mul3A_8 = arith.constant 13312 : i32
    %mul3A_9 = arith.muli %add3A, %mul3A_8 : i32
    "tpu.region"() ({
      %run_scoped3A = tpu.sem_alloc : memref<!tpu.dma_semaphore, #tpu.memory_space<semaphore_mem>>
      %dma_start3A = tpu.memref_slice %arg5[%mul3A_9] : memref<425984xi32, #tpu.memory_space<hbm>> -> memref<13312xi32, #tpu.memory_space<hbm>>
      %dma_start3A_17 = tpu.memref_slice %arg5[%mul3A_9] : memref<425984xi32, #tpu.memory_space<hbm>> -> memref<13312xi32, #tpu.memory_space<hbm>>
      tpu.enqueue_dma source(%arg8 : memref<13312xi32, #tpu.memory_space<vmem>>) target(%dma_start3A_17 : memref<13312xi32, #tpu.memory_space<hbm>>) target_semaphore(%run_scoped3A : memref<!tpu.dma_semaphore, #tpu.memory_space<semaphore_mem>>)
      %dma_wait3A = tpu.memref_slice %arg5[%mul3A_9] : memref<425984xi32, #tpu.memory_space<hbm>> -> memref<13312xi32, #tpu.memory_space<hbm>>
      %dma_wait3A_18 = tpu.memref_slice %arg5[%mul3A_9] : memref<425984xi32, #tpu.memory_space<hbm>> -> memref<13312xi32, #tpu.memory_space<hbm>>
      tpu.wait_dma2 semaphore(%run_scoped3A : memref<!tpu.dma_semaphore, #tpu.memory_space<semaphore_mem>>) src(%arg8 : memref<13312xi32, #tpu.memory_space<vmem>>) dst(%dma_wait3A_18 : memref<13312xi32, #tpu.memory_space<hbm>>)
      tpu.yield
    }) : () -> ()
    %get3A = arith.constant 0 : index
    %get3A_10 = tpu.vector_load %arg11[%get3A] {strides = array<i32>} : memref<16xf32, #tpu.memory_space<vmem>>, vector<16xf32>,
    %scan3A_11 = arith.constant 0 : i32
    %scan3A_12 = arith.constant 0 : i32
    %scan3A_13 = arith.constant 32 : i32
    %scan3A_14 = arith.addi %scan3A_12, %scan3A_13 : i32
    %scan3A_15 = arith.constant 1 : i32
    scf.for %scan3A_17 = %scan3A_12 to %scan3A_14 step %scan3A_15  : i32 {
      %mul3A_18 = arith.constant 16 : i32
      %mul3A_19 = arith.muli %scan3A_17, %mul3A_18 : i32
      %get3A_20 = arith.constant 0 : i32
      %get3A_21 = arith.index_cast %get3A_20 : i32 to index
      %get3A_22 = arith.index_cast %mul3A_19 : i32 to index
      %get3A_23 = tpu.vector_load %arg7[%get3A_21, %get3A_22] {strides = array<i32>} : memref<39x512xf32, #tpu.memory_space<vmem>>, vector<16xf32>,
      %get3A_24 = arith.constant 0 : i32
      %get3A_25 = arith.index_cast %get3A_24 : i32 to index
      %get3A_26 = arith.constant 0 : index
      %get3A_27 = tpu.vector_load %arg10[%get3A_25, %get3A_26] {strides = array<i32>} : memref<13x16xf32, #tpu.memory_space<vmem>>, vector<16xf32>,
      %mul3A_28 = arith.mulf %get3A_23, %get3A_27 : vector<16xf32>
      %add3A_29 = arith.addf %get3A_10, %mul3A_28 : vector<16xf32>
      %mul3A_30 = arith.constant 16 : i32
      %mul3A_31 = arith.muli %scan3A_17, %mul3A_30 : i32
      %get3A_32 = arith.constant 1 : i32
      %get3A_33 = arith.index_cast %get3A_32 : i32 to index
      %get3A_34 = arith.index_cast %mul3A_31 : i32 to index
      %get3A_35 = tpu.vector_load %arg7[%get3A_33, %get3A_34] {strides = array<i32>} : memref<39x512xf32, #tpu.memory_space<vmem>>, vector<16xf32>,
      %get3A_36 = arith.constant 1 : i32
      %get3A_37 = arith.index_cast %get3A_36 : i32 to index
      %get3A_38 = arith.constant 0 : index
      %get3A_39 = tpu.vector_load %arg10[%get3A_37, %get3A_38] {strides = array<i32>} : memref<13x16xf32, #tpu.memory_space<vmem>>, vector<16xf32>,
      %mul3A_40 = arith.mulf %get3A_35, %get3A_39 : vector<16xf32>
      %add3A_41 = arith.addf %add3A_29, %mul3A_40 : vector<16xf32>
      %mul3A_42 = arith.constant 16 : i32
      %mul3A_43 = arith.muli %scan3A_17, %mul3A_42 : i32
      %get3A_44 = arith.constant 2 : i32
      %get3A_45 = arith.index_cast %get3A_44 : i32 to index
      %get3A_46 = arith.index_cast %mul3A_43 : i32 to index
      %get3A_47 = tpu.vector_load %arg7[%get3A_45, %get3A_46] {strides = array<i32>} : memref<39x512xf32, #tpu.memory_space<vmem>>, vector<16xf32>,
      %get3A_48 = arith.constant 2 : i32
      %get3A_49 = arith.index_cast %get3A_48 : i32 to index
      %get3A_50 = arith.constant 0 : index
      %get3A_51 = tpu.vector_load %arg10[%get3A_49, %get3A_50] {strides = array<i32>} : memref<13x16xf32, #tpu.memory_space<vmem>>, vector<16xf32>,
      %mul3A_52 = arith.mulf %get3A_47, %get3A_51 : vector<16xf32>
      %add3A_53 = arith.addf %add3A_41, %mul3A_52 : vector<16xf32>
      %mul3A_54 = arith.constant 16 : i32
      %mul3A_55 = arith.muli %scan3A_17, %mul3A_54 : i32
      %get3A_56 = arith.constant 3 : i32
      %get3A_57 = arith.index_cast %get3A_56 : i32 to index
      %get3A_58 = arith.index_cast %mul3A_55 : i32 to index
      %get3A_59 = tpu.vector_load %arg7[%get3A_57, %get3A_58] {strides = array<i32>} : memref<39x512xf32, #tpu.memory_space<vmem>>, vector<16xf32>,
      %get3A_60 = arith.constant 3 : i32
      %get3A_61 = arith.index_cast %get3A_60 : i32 to index
      %get3A_62 = arith.constant 0 : index
      %get3A_63 = tpu.vector_load %arg10[%get3A_61, %get3A_62] {strides = array<i32>} : memref<13x16xf32, #tpu.memory_space<vmem>>, vector<16xf32>,
      %mul3A_64 = arith.mulf %get3A_59, %get3A_63 : vector<16xf32>
      %add3A_65 = arith.addf %add3A_53, %mul3A_64 : vector<16xf32>
      %mul3A_66 = arith.constant 16 : i32
      %mul3A_67 = arith.muli %scan3A_17, %mul3A_66 : i32
      %get3A_68 = arith.constant 4 : i32
      %get3A_69 = arith.index_cast %get3A_68 : i32 to index
      %get3A_70 = arith.index_cast %mul3A_67 : i32 to index
      %get3A_71 = tpu.vector_load %arg7[%get3A_69, %get3A_70] {strides = array<i32>} : memref<39x512xf32, #tpu.memory_space<vmem>>, vector<16xf32>,
      %get3A_72 = arith.constant 4 : i32
      %get3A_73 = arith.index_cast %get3A_72 : i32 to index
      %get3A_74 = arith.constant 0 : index
      %get3A_75 = tpu.vector_load %arg10[%get3A_73, %get3A_74] {strides = array<i32>} : memref<13x16xf32, #tpu.memory_space<vmem>>, vector<16xf32>,
      %mul3A_76 = arith.mulf %get3A_71, %get3A_75 : vector<16xf32>
      %add3A_77 = arith.addf %add3A_65, %mul3A_76 : vector<16xf32>
      %mul3A_78 = arith.constant 16 : i32
      %mul3A_79 = arith.muli %scan3A_17, %mul3A_78 : i32
      %get3A_80 = arith.constant 5 : i32
      %get3A_81 = arith.index_cast %get3A_80 : i32 to index
      %get3A_82 = arith.index_cast %mul3A_79 : i32 to index
      %get3A_83 = tpu.vector_load %arg7[%get3A_81, %get3A_82] {strides = array<i32>} : memref<39x512xf32, #tpu.memory_space<vmem>>, vector<16xf32>,
      %get3A_84 = arith.constant 5 : i32
      %get3A_85 = arith.index_cast %get3A_84 : i32 to index
      %get3A_86 = arith.constant 0 : index
      %get3A_87 = tpu.vector_load %arg10[%get3A_85, %get3A_86] {strides = array<i32>} : memref<13x16xf32, #tpu.memory_space<vmem>>, vector<16xf32>,
      %mul3A_88 = arith.mulf %get3A_83, %get3A_87 : vector<16xf32>
      %add3A_89 = arith.addf %add3A_77, %mul3A_88 : vector<16xf32>
      %mul3A_90 = arith.constant 16 : i32
      %mul3A_91 = arith.muli %scan3A_17, %mul3A_90 : i32
      %get3A_92 = arith.constant 6 : i32
      %get3A_93 = arith.index_cast %get3A_92 : i32 to index
      %get3A_94 = arith.index_cast %mul3A_91 : i32 to index
      %get3A_95 = tpu.vector_load %arg7[%get3A_93, %get3A_94] {strides = array<i32>} : memref<39x512xf32, #tpu.memory_space<vmem>>, vector<16xf32>,
      %get3A_96 = arith.constant 6 : i32
      %get3A_97 = arith.index_cast %get3A_96 : i32 to index
      %get3A_98 = arith.constant 0 : index
      %get3A_99 = tpu.vector_load %arg10[%get3A_97, %get3A_98] {strides = array<i32>} : memref<13x16xf32, #tpu.memory_space<vmem>>, vector<16xf32>,
      %mul3A_100 = arith.mulf %get3A_95, %get3A_99 : vector<16xf32>
      %add3A_101 = arith.addf %add3A_89, %mul3A_100 : vector<16xf32>
      %mul3A_102 = arith.constant 16 : i32
      %mul3A_103 = arith.muli %scan3A_17, %mul3A_102 : i32
      %get3A_104 = arith.constant 7 : i32
      %get3A_105 = arith.index_cast %get3A_104 : i32 to index
      %get3A_106 = arith.index_cast %mul3A_103 : i32 to index
      %get3A_107 = tpu.vector_load %arg7[%get3A_105, %get3A_106] {strides = array<i32>} : memref<39x512xf32, #tpu.memory_space<vmem>>, vector<16xf32>,
      %get3A_108 = arith.constant 7 : i32
      %get3A_109 = arith.index_cast %get3A_108 : i32 to index
      %get3A_110 = arith.constant 0 : index
      %get3A_111 = tpu.vector_load %arg10[%get3A_109, %get3A_110] {strides = array<i32>} : memref<13x16xf32, #tpu.memory_space<vmem>>, vector<16xf32>,
      %mul3A_112 = arith.mulf %get3A_107, %get3A_111 : vector<16xf32>
      %add3A_113 = arith.addf %add3A_101, %mul3A_112 : vector<16xf32>
      %mul3A_114 = arith.constant 16 : i32
      %mul3A_115 = arith.muli %scan3A_17, %mul3A_114 : i32
      %get3A_116 = arith.constant 8 : i32
      %get3A_117 = arith.index_cast %get3A_116 : i32 to index
      %get3A_118 = arith.index_cast %mul3A_115 : i32 to index
      %get3A_119 = tpu.vector_load %arg7[%get3A_117, %get3A_118] {strides = array<i32>} : memref<39x512xf32, #tpu.memory_space<vmem>>, vector<16xf32>,
      %get3A_120 = arith.constant 8 : i32
      %get3A_121 = arith.index_cast %get3A_120 : i32 to index
      %get3A_122 = arith.constant 0 : index
      %get3A_123 = tpu.vector_load %arg10[%get3A_121, %get3A_122] {strides = array<i32>} : memref<13x16xf32, #tpu.memory_space<vmem>>, vector<16xf32>,
      %mul3A_124 = arith.mulf %get3A_119, %get3A_123 : vector<16xf32>
      %add3A_125 = arith.addf %add3A_113, %mul3A_124 : vector<16xf32>
      %mul3A_126 = arith.constant 16 : i32
      %mul3A_127 = arith.muli %scan3A_17, %mul3A_126 : i32
      %get3A_128 = arith.constant 9 : i32
      %get3A_129 = arith.index_cast %get3A_128 : i32 to index
      %get3A_130 = arith.index_cast %mul3A_127 : i32 to index
      %get3A_131 = tpu.vector_load %arg7[%get3A_129, %get3A_130] {strides = array<i32>} : memref<39x512xf32, #tpu.memory_space<vmem>>, vector<16xf32>,
      %get3A_132 = arith.constant 9 : i32
      %get3A_133 = arith.index_cast %get3A_132 : i32 to index
      %get3A_134 = arith.constant 0 : index
      %get3A_135 = tpu.vector_load %arg10[%get3A_133, %get3A_134] {strides = array<i32>} : memref<13x16xf32, #tpu.memory_space<vmem>>, vector<16xf32>,
      %mul3A_136 = arith.mulf %get3A_131, %get3A_135 : vector<16xf32>
      %add3A_137 = arith.addf %add3A_125, %mul3A_136 : vector<16xf32>
      %mul3A_138 = arith.constant 16 : i32
      %mul3A_139 = arith.muli %scan3A_17, %mul3A_138 : i32
      %get3A_140 = arith.constant 10 : i32
      %get3A_141 = arith.index_cast %get3A_140 : i32 to index
      %get3A_142 = arith.index_cast %mul3A_139 : i32 to index
      %get3A_143 = tpu.vector_load %arg7[%get3A_141, %get3A_142] {strides = array<i32>} : memref<39x512xf32, #tpu.memory_space<vmem>>, vector<16xf32>,
      %get3A_144 = arith.constant 10 : i32
      %get3A_145 = arith.index_cast %get3A_144 : i32 to index
      %get3A_146 = arith.constant 0 : index
      %get3A_147 = tpu.vector_load %arg10[%get3A_145, %get3A_146] {strides = array<i32>} : memref<13x16xf32, #tpu.memory_space<vmem>>, vector<16xf32>,
      %mul3A_148 = arith.mulf %get3A_143, %get3A_147 : vector<16xf32>
      %add3A_149 = arith.addf %add3A_137, %mul3A_148 : vector<16xf32>
      %mul3A_150 = arith.constant 16 : i32
      %mul3A_151 = arith.muli %scan3A_17, %mul3A_150 : i32
      %get3A_152 = arith.constant 11 : i32
      %get3A_153 = arith.index_cast %get3A_152 : i32 to index
      %get3A_154 = arith.index_cast %mul3A_151 : i32 to index
      %get3A_155 = tpu.vector_load %arg7[%get3A_153, %get3A_154] {strides = array<i32>} : memref<39x512xf32, #tpu.memory_space<vmem>>, vector<16xf32>,
      %get3A_156 = arith.constant 11 : i32
      %get3A_157 = arith.index_cast %get3A_156 : i32 to index
      %get3A_158 = arith.constant 0 : index
      %get3A_159 = tpu.vector_load %arg10[%get3A_157, %get3A_158] {strides = array<i32>} : memref<13x16xf32, #tpu.memory_space<vmem>>, vector<16xf32>,
      %mul3A_160 = arith.mulf %get3A_155, %get3A_159 : vector<16xf32>
      %add3A_161 = arith.addf %add3A_149, %mul3A_160 : vector<16xf32>
      %mul3A_162 = arith.constant 16 : i32
      %mul3A_163 = arith.muli %scan3A_17, %mul3A_162 : i32
      %get3A_164 = arith.constant 12 : i32
      %get3A_165 = arith.index_cast %get3A_164 : i32 to index
      %get3A_166 = arith.index_cast %mul3A_163 : i32 to index
      %get3A_167 = tpu.vector_load %arg7[%get3A_165, %get3A_166] {strides = array<i32>} : memref<39x512xf32, #tpu.memory_space<vmem>>, vector<16xf32>,
      %get3A_168 = arith.constant 12 : i32
      %get3A_169 = arith.index_cast %get3A_168 : i32 to index
      %get3A_170 = arith.constant 0 : index
      %get3A_171 = tpu.vector_load %arg10[%get3A_169, %get3A_170] {strides = array<i32>} : memref<13x16xf32, #tpu.memory_space<vmem>>, vector<16xf32>,
      %mul3A_172 = arith.mulf %get3A_167, %get3A_171 : vector<16xf32>
      %add3A_173 = arith.addf %add3A_161, %mul3A_172 : vector<16xf32>
      %mul3A_174 = arith.constant 16 : i32
      %mul3A_175 = arith.muli %scan3A_17, %mul3A_174 : i32
      %swap3A = arith.index_cast %mul3A_175 : i32 to index
      %swap3A_176 = tpu.vector_load %arg9[%swap3A] {strides = array<i32>} : memref<512xf32, #tpu.memory_space<vmem>>, vector<16xf32>,
      tpu.vector_store %arg9[%swap3A], %add3A_173 {strides = array<i32>} : memref<512xf32, #tpu.memory_space<vmem>>, vector<16xf32>,
    }
    %scan3A_16 = arith.constant 32 : i32
    "tpu.region"() ({
      %run_scoped3A = tpu.sem_alloc : memref<!tpu.dma_semaphore, #tpu.memory_space<semaphore_mem>>
      %dma_start3A = tpu.memref_slice %arg6[%mul3A_2] : memref<16384xf32, #tpu.memory_space<hbm>> -> memref<512xf32, #tpu.memory_space<hbm>>
      %dma_start3A_17 = tpu.memref_slice %arg6[%mul3A_2] : memref<16384xf32, #tpu.memory_space<hbm>> -> memref<512xf32, #tpu.memory_space<hbm>>
      tpu.enqueue_dma source(%arg9 : memref<512xf32, #tpu.memory_space<vmem>>) target(%dma_start3A_17 : memref<512xf32, #tpu.memory_space<hbm>>) target_semaphore(%run_scoped3A : memref<!tpu.dma_semaphore, #tpu.memory_space<semaphore_mem>>)
      %dma_wait3A = tpu.memref_slice %arg6[%mul3A_2] : memref<16384xf32, #tpu.memory_space<hbm>> -> memref<512xf32, #tpu.memory_space<hbm>>
      %dma_wait3A_18 = tpu.memref_slice %arg6[%mul3A_2] : memref<16384xf32, #tpu.memory_space<hbm>> -> memref<512xf32, #tpu.memory_space<hbm>>
      tpu.wait_dma2 semaphore(%run_scoped3A : memref<!tpu.dma_semaphore, #tpu.memory_space<semaphore_mem>>) src(%arg9 : memref<512xf32, #tpu.memory_space<vmem>>) dst(%dma_wait3A_18 : memref<512xf32, #tpu.memory_space<hbm>>)
      tpu.yield
    }) : () -> ()
    return
  }
}

#map = affine_map<(d0, d1) -> (0)>
module attributes {stable_mosaic.version = 14 : i64} {
  func.func @_sc_gather_body(%arg0: i32, %arg1: i32, %arg2: memref<425984xi32, #tpu.memory_space<hbm>>, %arg3: memref<2609152xf32, #tpu.memory_space<hbm>>, %arg4: memref<16384xf32, #tpu.memory_space<hbm>>, %arg5: memref<16384xf32, #tpu.memory_space<hbm>>, %arg6: memref<13312xi32, #tpu.memory_space<vmem>>, %arg7: memref<13312xf32, #tpu.memory_space<vmem>>, %arg8: memref<512xf32, #tpu.memory_space<vmem>>, %arg9: memref<!tpu.dma_semaphore, #tpu.memory_space<semaphore_mem>>) attributes {dimension_semantics = [#tpu.dimension_semantics<core_parallel>, #tpu.dimension_semantics<subcore_parallel>], iteration_bounds = array<i64: 2, 16>, scalar_prefetch = 0 : i64, scratch_operands = 4 : i64, tpu.core_type = #tpu.core_type<sc_vector_subcore>, window_params = [{transform_indices = #map}, {transform_indices = #map}, {transform_indices = #map}, {transform_indices = #map}]} {
    %mul3A = arith.constant 2 : i32
    %mul3A_0 = arith.muli %arg1, %mul3A : i32
    %add3A = arith.addi %mul3A_0, %arg0 : i32
    %mul3A_1 = arith.constant 512 : i32
    %mul3A_2 = arith.muli %add3A, %mul3A_1 : i32
    %mul3A_3 = arith.constant 13312 : i32
    %mul3A_4 = arith.muli %add3A, %mul3A_3 : i32
    "tpu.region"() ({
      %run_scoped3A = tpu.sem_alloc : memref<!tpu.dma_semaphore, #tpu.memory_space<semaphore_mem>>
      %dma_start3A = tpu.memref_slice %arg2[%mul3A_4] : memref<425984xi32, #tpu.memory_space<hbm>> -> memref<13312xi32, #tpu.memory_space<hbm>>
      %dma_start3A_19 = tpu.memref_slice %arg2[%mul3A_4] : memref<425984xi32, #tpu.memory_space<hbm>> -> memref<13312xi32, #tpu.memory_space<hbm>>
      tpu.enqueue_dma source(%dma_start3A_19 : memref<13312xi32, #tpu.memory_space<hbm>>) target(%arg6 : memref<13312xi32, #tpu.memory_space<vmem>>) target_semaphore(%run_scoped3A : memref<!tpu.dma_semaphore, #tpu.memory_space<semaphore_mem>>)
      %dma_wait3A_20 = tpu.memref_slice %arg2[%mul3A_4] : memref<425984xi32, #tpu.memory_space<hbm>> -> memref<13312xi32, #tpu.memory_space<hbm>>
      %dma_wait3A_21 = tpu.memref_slice %arg2[%mul3A_4] : memref<425984xi32, #tpu.memory_space<hbm>> -> memref<13312xi32, #tpu.memory_space<hbm>>
      tpu.wait_dma2 semaphore(%run_scoped3A : memref<!tpu.dma_semaphore, #tpu.memory_space<semaphore_mem>>) src(%dma_wait3A_21 : memref<13312xi32, #tpu.memory_space<hbm>>) dst(%arg6 : memref<13312xi32, #tpu.memory_space<vmem>>)
      tpu.yield
    }) : () -> ()
    %scan3A = arith.constant 0 : i32
    %scan3A_5 = arith.constant 0 : i32
    %scan3A_6 = arith.constant 104 : i32
    %scan3A_7 = arith.addi %scan3A_5, %scan3A_6 : i32
    %scan3A_8 = arith.constant 1 : i32
    scf.for %scan3A_19 = %scan3A_5 to %scan3A_7 step %scan3A_8  : i32 {
      %mul3A_20 = arith.constant 128 : i32
      %mul3A_21 = arith.muli %scan3A_19, %mul3A_20 : i32
      %dma_start3A = tpu.memref_slice %arg7[%mul3A_21] : memref<13312xf32, #tpu.memory_space<vmem>> -> memref<128xf32, #tpu.memory_space<vmem>>
      %dma_start3A_22 = tpu.memref_slice %arg6[%mul3A_21] : memref<13312xi32, #tpu.memory_space<vmem>> -> memref<128xi32, #tpu.memory_space<vmem>>
      %dma_start3A_23 = arith.constant 0 : i32
      %dma_start3A_24 = tpu.memref_slice %arg3[%dma_start3A_23] : memref<2609152xf32, #tpu.memory_space<hbm>> -> memref<2609152xf32, #tpu.memory_space<hbm>>
      tpu.enqueue_indirect_dma source(%dma_start3A_24 : memref<2609152xf32, #tpu.memory_space<hbm>>) target(%dma_start3A : memref<128xf32, #tpu.memory_space<vmem>>) offsets(%dma_start3A_22 : memref<128xi32, #tpu.memory_space<vmem>>) semaphore(%arg9 : memref<!tpu.dma_semaphore, #tpu.memory_space<semaphore_mem>>)
    }
    %scan3A_9 = arith.constant 104 : i32
    "tpu.region"() ({
      %run_scoped3A = tpu.sem_alloc : memref<!tpu.dma_semaphore, #tpu.memory_space<semaphore_mem>>
      %dma_start3A = tpu.memref_slice %arg4[%mul3A_2] : memref<16384xf32, #tpu.memory_space<hbm>> -> memref<512xf32, #tpu.memory_space<hbm>>
      %dma_start3A_19 = tpu.memref_slice %arg4[%mul3A_2] : memref<16384xf32, #tpu.memory_space<hbm>> -> memref<512xf32, #tpu.memory_space<hbm>>
      tpu.enqueue_dma source(%dma_start3A_19 : memref<512xf32, #tpu.memory_space<hbm>>) target(%arg8 : memref<512xf32, #tpu.memory_space<vmem>>) target_semaphore(%run_scoped3A : memref<!tpu.dma_semaphore, #tpu.memory_space<semaphore_mem>>)
      %dma_wait3A_20 = tpu.memref_slice %arg4[%mul3A_2] : memref<16384xf32, #tpu.memory_space<hbm>> -> memref<512xf32, #tpu.memory_space<hbm>>
      %dma_wait3A_21 = tpu.memref_slice %arg4[%mul3A_2] : memref<16384xf32, #tpu.memory_space<hbm>> -> memref<512xf32, #tpu.memory_space<hbm>>
      tpu.wait_dma2 semaphore(%run_scoped3A : memref<!tpu.dma_semaphore, #tpu.memory_space<semaphore_mem>>) src(%dma_wait3A_21 : memref<512xf32, #tpu.memory_space<hbm>>) dst(%arg8 : memref<512xf32, #tpu.memory_space<vmem>>)
      tpu.yield
    }) : () -> ()
    %dma_wait3A = arith.constant 0 : i32
    %dma_wait3A_10 = tpu.memref_slice %arg3[%dma_wait3A] : memref<2609152xf32, #tpu.memory_space<hbm>> -> memref<13312xf32, #tpu.memory_space<hbm>>
    %dma_wait3A_11 = arith.constant 0 : i32
    %dma_wait3A_12 = tpu.memref_slice %arg3[%dma_wait3A_11] : memref<2609152xf32, #tpu.memory_space<hbm>> -> memref<13312xf32, #tpu.memory_space<hbm>>
    tpu.wait_dma2 semaphore(%arg9 : memref<!tpu.dma_semaphore, #tpu.memory_space<semaphore_mem>>) src(%dma_wait3A_12 : memref<13312xf32, #tpu.memory_space<hbm>>) dst(%arg7 : memref<13312xf32, #tpu.memory_space<vmem>>)
    %scan3A_13 = arith.constant 0 : i32
    %scan3A_14 = arith.constant 0 : i32
    %scan3A_15 = arith.constant 32 : i32
    %scan3A_16 = arith.addi %scan3A_14, %scan3A_15 : i32
    %scan3A_17 = arith.constant 1 : i32
    scf.for %scan3A_19 = %scan3A_14 to %scan3A_16 step %scan3A_17  : i32 {
      %mul3A_20 = arith.constant 16 : i32
      %mul3A_21 = arith.muli %scan3A_19, %mul3A_20 : i32
      %get3A = arith.index_cast %mul3A_21 : i32 to index
      %get3A_22 = tpu.vector_load %arg8[%get3A] {strides = array<i32>} : memref<512xf32, #tpu.memory_space<vmem>>, vector<16xf32>,
      %mul3A_23 = arith.constant 16 : i32
      %mul3A_24 = arith.muli %scan3A_19, %mul3A_23 : i32
      %add3A_25 = arith.constant 0 : i32
      %add3A_26 = arith.addi %add3A_25, %mul3A_24 : i32
      %get3A_27 = arith.index_cast %add3A_26 : i32 to index
      %get3A_28 = tpu.vector_load %arg7[%get3A_27] {strides = array<i32>} : memref<13312xf32, #tpu.memory_space<vmem>>, vector<16xf32>,
      %add3A_29 = arith.addf %get3A_22, %get3A_28 : vector<16xf32>
      %mul3A_30 = arith.constant 16 : i32
      %mul3A_31 = arith.muli %scan3A_19, %mul3A_30 : i32
      %add3A_32 = arith.constant 512 : i32
      %add3A_33 = arith.addi %add3A_32, %mul3A_31 : i32
      %get3A_34 = arith.index_cast %add3A_33 : i32 to index
      %get3A_35 = tpu.vector_load %arg7[%get3A_34] {strides = array<i32>} : memref<13312xf32, #tpu.memory_space<vmem>>, vector<16xf32>,
      %add3A_36 = arith.addf %add3A_29, %get3A_35 : vector<16xf32>
      %mul3A_37 = arith.constant 16 : i32
      %mul3A_38 = arith.muli %scan3A_19, %mul3A_37 : i32
      %add3A_39 = arith.constant 1024 : i32
      %add3A_40 = arith.addi %add3A_39, %mul3A_38 : i32
      %get3A_41 = arith.index_cast %add3A_40 : i32 to index
      %get3A_42 = tpu.vector_load %arg7[%get3A_41] {strides = array<i32>} : memref<13312xf32, #tpu.memory_space<vmem>>, vector<16xf32>,
      %add3A_43 = arith.addf %add3A_36, %get3A_42 : vector<16xf32>
      %mul3A_44 = arith.constant 16 : i32
      %mul3A_45 = arith.muli %scan3A_19, %mul3A_44 : i32
      %add3A_46 = arith.constant 1536 : i32
      %add3A_47 = arith.addi %add3A_46, %mul3A_45 : i32
      %get3A_48 = arith.index_cast %add3A_47 : i32 to index
      %get3A_49 = tpu.vector_load %arg7[%get3A_48] {strides = array<i32>} : memref<13312xf32, #tpu.memory_space<vmem>>, vector<16xf32>,
      %add3A_50 = arith.addf %add3A_43, %get3A_49 : vector<16xf32>
      %mul3A_51 = arith.constant 16 : i32
      %mul3A_52 = arith.muli %scan3A_19, %mul3A_51 : i32
      %add3A_53 = arith.constant 2048 : i32
      %add3A_54 = arith.addi %add3A_53, %mul3A_52 : i32
      %get3A_55 = arith.index_cast %add3A_54 : i32 to index
      %get3A_56 = tpu.vector_load %arg7[%get3A_55] {strides = array<i32>} : memref<13312xf32, #tpu.memory_space<vmem>>, vector<16xf32>,
      %add3A_57 = arith.addf %add3A_50, %get3A_56 : vector<16xf32>
      %mul3A_58 = arith.constant 16 : i32
      %mul3A_59 = arith.muli %scan3A_19, %mul3A_58 : i32
      %add3A_60 = arith.constant 2560 : i32
      %add3A_61 = arith.addi %add3A_60, %mul3A_59 : i32
      %get3A_62 = arith.index_cast %add3A_61 : i32 to index
      %get3A_63 = tpu.vector_load %arg7[%get3A_62] {strides = array<i32>} : memref<13312xf32, #tpu.memory_space<vmem>>, vector<16xf32>,
      %add3A_64 = arith.addf %add3A_57, %get3A_63 : vector<16xf32>
      %mul3A_65 = arith.constant 16 : i32
      %mul3A_66 = arith.muli %scan3A_19, %mul3A_65 : i32
      %add3A_67 = arith.constant 3072 : i32
      %add3A_68 = arith.addi %add3A_67, %mul3A_66 : i32
      %get3A_69 = arith.index_cast %add3A_68 : i32 to index
      %get3A_70 = tpu.vector_load %arg7[%get3A_69] {strides = array<i32>} : memref<13312xf32, #tpu.memory_space<vmem>>, vector<16xf32>,
      %add3A_71 = arith.addf %add3A_64, %get3A_70 : vector<16xf32>
      %mul3A_72 = arith.constant 16 : i32
      %mul3A_73 = arith.muli %scan3A_19, %mul3A_72 : i32
      %add3A_74 = arith.constant 3584 : i32
      %add3A_75 = arith.addi %add3A_74, %mul3A_73 : i32
      %get3A_76 = arith.index_cast %add3A_75 : i32 to index
      %get3A_77 = tpu.vector_load %arg7[%get3A_76] {strides = array<i32>} : memref<13312xf32, #tpu.memory_space<vmem>>, vector<16xf32>,
      %add3A_78 = arith.addf %add3A_71, %get3A_77 : vector<16xf32>
      %mul3A_79 = arith.constant 16 : i32
      %mul3A_80 = arith.muli %scan3A_19, %mul3A_79 : i32
      %add3A_81 = arith.constant 4096 : i32
      %add3A_82 = arith.addi %add3A_81, %mul3A_80 : i32
      %get3A_83 = arith.index_cast %add3A_82 : i32 to index
      %get3A_84 = tpu.vector_load %arg7[%get3A_83] {strides = array<i32>} : memref<13312xf32, #tpu.memory_space<vmem>>, vector<16xf32>,
      %add3A_85 = arith.addf %add3A_78, %get3A_84 : vector<16xf32>
      %mul3A_86 = arith.constant 16 : i32
      %mul3A_87 = arith.muli %scan3A_19, %mul3A_86 : i32
      %add3A_88 = arith.constant 4608 : i32
      %add3A_89 = arith.addi %add3A_88, %mul3A_87 : i32
      %get3A_90 = arith.index_cast %add3A_89 : i32 to index
      %get3A_91 = tpu.vector_load %arg7[%get3A_90] {strides = array<i32>} : memref<13312xf32, #tpu.memory_space<vmem>>, vector<16xf32>,
      %add3A_92 = arith.addf %add3A_85, %get3A_91 : vector<16xf32>
      %mul3A_93 = arith.constant 16 : i32
      %mul3A_94 = arith.muli %scan3A_19, %mul3A_93 : i32
      %add3A_95 = arith.constant 5120 : i32
      %add3A_96 = arith.addi %add3A_95, %mul3A_94 : i32
      %get3A_97 = arith.index_cast %add3A_96 : i32 to index
      %get3A_98 = tpu.vector_load %arg7[%get3A_97] {strides = array<i32>} : memref<13312xf32, #tpu.memory_space<vmem>>, vector<16xf32>,
      %add3A_99 = arith.addf %add3A_92, %get3A_98 : vector<16xf32>
      %mul3A_100 = arith.constant 16 : i32
      %mul3A_101 = arith.muli %scan3A_19, %mul3A_100 : i32
      %add3A_102 = arith.constant 5632 : i32
      %add3A_103 = arith.addi %add3A_102, %mul3A_101 : i32
      %get3A_104 = arith.index_cast %add3A_103 : i32 to index
      %get3A_105 = tpu.vector_load %arg7[%get3A_104] {strides = array<i32>} : memref<13312xf32, #tpu.memory_space<vmem>>, vector<16xf32>,
      %add3A_106 = arith.addf %add3A_99, %get3A_105 : vector<16xf32>
      %mul3A_107 = arith.constant 16 : i32
      %mul3A_108 = arith.muli %scan3A_19, %mul3A_107 : i32
      %add3A_109 = arith.constant 6144 : i32
      %add3A_110 = arith.addi %add3A_109, %mul3A_108 : i32
      %get3A_111 = arith.index_cast %add3A_110 : i32 to index
      %get3A_112 = tpu.vector_load %arg7[%get3A_111] {strides = array<i32>} : memref<13312xf32, #tpu.memory_space<vmem>>, vector<16xf32>,
      %add3A_113 = arith.addf %add3A_106, %get3A_112 : vector<16xf32>
      %mul3A_114 = arith.constant 16 : i32
      %mul3A_115 = arith.muli %scan3A_19, %mul3A_114 : i32
      %add3A_116 = arith.constant 6656 : i32
      %add3A_117 = arith.addi %add3A_116, %mul3A_115 : i32
      %get3A_118 = arith.index_cast %add3A_117 : i32 to index
      %get3A_119 = tpu.vector_load %arg7[%get3A_118] {strides = array<i32>} : memref<13312xf32, #tpu.memory_space<vmem>>, vector<16xf32>,
      %add3A_120 = arith.addf %add3A_113, %get3A_119 : vector<16xf32>
      %mul3A_121 = arith.constant 16 : i32
      %mul3A_122 = arith.muli %scan3A_19, %mul3A_121 : i32
      %add3A_123 = arith.constant 7168 : i32
      %add3A_124 = arith.addi %add3A_123, %mul3A_122 : i32
      %get3A_125 = arith.index_cast %add3A_124 : i32 to index
      %get3A_126 = tpu.vector_load %arg7[%get3A_125] {strides = array<i32>} : memref<13312xf32, #tpu.memory_space<vmem>>, vector<16xf32>,
      %add3A_127 = arith.addf %add3A_120, %get3A_126 : vector<16xf32>
      %mul3A_128 = arith.constant 16 : i32
      %mul3A_129 = arith.muli %scan3A_19, %mul3A_128 : i32
      %add3A_130 = arith.constant 7680 : i32
      %add3A_131 = arith.addi %add3A_130, %mul3A_129 : i32
      %get3A_132 = arith.index_cast %add3A_131 : i32 to index
      %get3A_133 = tpu.vector_load %arg7[%get3A_132] {strides = array<i32>} : memref<13312xf32, #tpu.memory_space<vmem>>, vector<16xf32>,
      %add3A_134 = arith.addf %add3A_127, %get3A_133 : vector<16xf32>
      %mul3A_135 = arith.constant 16 : i32
      %mul3A_136 = arith.muli %scan3A_19, %mul3A_135 : i32
      %add3A_137 = arith.constant 8192 : i32
      %add3A_138 = arith.addi %add3A_137, %mul3A_136 : i32
      %get3A_139 = arith.index_cast %add3A_138 : i32 to index
      %get3A_140 = tpu.vector_load %arg7[%get3A_139] {strides = array<i32>} : memref<13312xf32, #tpu.memory_space<vmem>>, vector<16xf32>,
      %add3A_141 = arith.addf %add3A_134, %get3A_140 : vector<16xf32>
      %mul3A_142 = arith.constant 16 : i32
      %mul3A_143 = arith.muli %scan3A_19, %mul3A_142 : i32
      %add3A_144 = arith.constant 8704 : i32
      %add3A_145 = arith.addi %add3A_144, %mul3A_143 : i32
      %get3A_146 = arith.index_cast %add3A_145 : i32 to index
      %get3A_147 = tpu.vector_load %arg7[%get3A_146] {strides = array<i32>} : memref<13312xf32, #tpu.memory_space<vmem>>, vector<16xf32>,
      %add3A_148 = arith.addf %add3A_141, %get3A_147 : vector<16xf32>
      %mul3A_149 = arith.constant 16 : i32
      %mul3A_150 = arith.muli %scan3A_19, %mul3A_149 : i32
      %add3A_151 = arith.constant 9216 : i32
      %add3A_152 = arith.addi %add3A_151, %mul3A_150 : i32
      %get3A_153 = arith.index_cast %add3A_152 : i32 to index
      %get3A_154 = tpu.vector_load %arg7[%get3A_153] {strides = array<i32>} : memref<13312xf32, #tpu.memory_space<vmem>>, vector<16xf32>,
      %add3A_155 = arith.addf %add3A_148, %get3A_154 : vector<16xf32>
      %mul3A_156 = arith.constant 16 : i32
      %mul3A_157 = arith.muli %scan3A_19, %mul3A_156 : i32
      %add3A_158 = arith.constant 9728 : i32
      %add3A_159 = arith.addi %add3A_158, %mul3A_157 : i32
      %get3A_160 = arith.index_cast %add3A_159 : i32 to index
      %get3A_161 = tpu.vector_load %arg7[%get3A_160] {strides = array<i32>} : memref<13312xf32, #tpu.memory_space<vmem>>, vector<16xf32>,
      %add3A_162 = arith.addf %add3A_155, %get3A_161 : vector<16xf32>
      %mul3A_163 = arith.constant 16 : i32
      %mul3A_164 = arith.muli %scan3A_19, %mul3A_163 : i32
      %add3A_165 = arith.constant 10240 : i32
      %add3A_166 = arith.addi %add3A_165, %mul3A_164 : i32
      %get3A_167 = arith.index_cast %add3A_166 : i32 to index
      %get3A_168 = tpu.vector_load %arg7[%get3A_167] {strides = array<i32>} : memref<13312xf32, #tpu.memory_space<vmem>>, vector<16xf32>,
      %add3A_169 = arith.addf %add3A_162, %get3A_168 : vector<16xf32>
      %mul3A_170 = arith.constant 16 : i32
      %mul3A_171 = arith.muli %scan3A_19, %mul3A_170 : i32
      %add3A_172 = arith.constant 10752 : i32
      %add3A_173 = arith.addi %add3A_172, %mul3A_171 : i32
      %get3A_174 = arith.index_cast %add3A_173 : i32 to index
      %get3A_175 = tpu.vector_load %arg7[%get3A_174] {strides = array<i32>} : memref<13312xf32, #tpu.memory_space<vmem>>, vector<16xf32>,
      %add3A_176 = arith.addf %add3A_169, %get3A_175 : vector<16xf32>
      %mul3A_177 = arith.constant 16 : i32
      %mul3A_178 = arith.muli %scan3A_19, %mul3A_177 : i32
      %add3A_179 = arith.constant 11264 : i32
      %add3A_180 = arith.addi %add3A_179, %mul3A_178 : i32
      %get3A_181 = arith.index_cast %add3A_180 : i32 to index
      %get3A_182 = tpu.vector_load %arg7[%get3A_181] {strides = array<i32>} : memref<13312xf32, #tpu.memory_space<vmem>>, vector<16xf32>,
      %add3A_183 = arith.addf %add3A_176, %get3A_182 : vector<16xf32>
      %mul3A_184 = arith.constant 16 : i32
      %mul3A_185 = arith.muli %scan3A_19, %mul3A_184 : i32
      %add3A_186 = arith.constant 11776 : i32
      %add3A_187 = arith.addi %add3A_186, %mul3A_185 : i32
      %get3A_188 = arith.index_cast %add3A_187 : i32 to index
      %get3A_189 = tpu.vector_load %arg7[%get3A_188] {strides = array<i32>} : memref<13312xf32, #tpu.memory_space<vmem>>, vector<16xf32>,
      %add3A_190 = arith.addf %add3A_183, %get3A_189 : vector<16xf32>
      %mul3A_191 = arith.constant 16 : i32
      %mul3A_192 = arith.muli %scan3A_19, %mul3A_191 : i32
      %add3A_193 = arith.constant 12288 : i32
      %add3A_194 = arith.addi %add3A_193, %mul3A_192 : i32
      %get3A_195 = arith.index_cast %add3A_194 : i32 to index
      %get3A_196 = tpu.vector_load %arg7[%get3A_195] {strides = array<i32>} : memref<13312xf32, #tpu.memory_space<vmem>>, vector<16xf32>,
      %add3A_197 = arith.addf %add3A_190, %get3A_196 : vector<16xf32>
      %mul3A_198 = arith.constant 16 : i32
      %mul3A_199 = arith.muli %scan3A_19, %mul3A_198 : i32
      %add3A_200 = arith.constant 12800 : i32
      %add3A_201 = arith.addi %add3A_200, %mul3A_199 : i32
      %get3A_202 = arith.index_cast %add3A_201 : i32 to index
      %get3A_203 = tpu.vector_load %arg7[%get3A_202] {strides = array<i32>} : memref<13312xf32, #tpu.memory_space<vmem>>, vector<16xf32>,
      %add3A_204 = arith.addf %add3A_197, %get3A_203 : vector<16xf32>
      %mul3A_205 = arith.constant 16 : i32
      %mul3A_206 = arith.muli %scan3A_19, %mul3A_205 : i32
      %swap3A = arith.index_cast %mul3A_206 : i32 to index
      %swap3A_207 = tpu.vector_load %arg8[%swap3A] {strides = array<i32>} : memref<512xf32, #tpu.memory_space<vmem>>, vector<16xf32>,
      tpu.vector_store %arg8[%swap3A], %add3A_204 {strides = array<i32>} : memref<512xf32, #tpu.memory_space<vmem>>, vector<16xf32>,
    }
    %scan3A_18 = arith.constant 32 : i32
    "tpu.region"() ({
      %run_scoped3A = tpu.sem_alloc : memref<!tpu.dma_semaphore, #tpu.memory_space<semaphore_mem>>
      %dma_start3A = tpu.memref_slice %arg5[%mul3A_2] : memref<16384xf32, #tpu.memory_space<hbm>> -> memref<512xf32, #tpu.memory_space<hbm>>
      %dma_start3A_19 = tpu.memref_slice %arg5[%mul3A_2] : memref<16384xf32, #tpu.memory_space<hbm>> -> memref<512xf32, #tpu.memory_space<hbm>>
      tpu.enqueue_dma source(%arg8 : memref<512xf32, #tpu.memory_space<vmem>>) target(%dma_start3A_19 : memref<512xf32, #tpu.memory_space<hbm>>) target_semaphore(%run_scoped3A : memref<!tpu.dma_semaphore, #tpu.memory_space<semaphore_mem>>)
      %dma_wait3A_20 = tpu.memref_slice %arg5[%mul3A_2] : memref<16384xf32, #tpu.memory_space<hbm>> -> memref<512xf32, #tpu.memory_space<hbm>>
      %dma_wait3A_21 = tpu.memref_slice %arg5[%mul3A_2] : memref<16384xf32, #tpu.memory_space<hbm>> -> memref<512xf32, #tpu.memory_space<hbm>>
      tpu.wait_dma2 semaphore(%run_scoped3A : memref<!tpu.dma_semaphore, #tpu.memory_space<semaphore_mem>>) src(%arg8 : memref<512xf32, #tpu.memory_space<vmem>>) dst(%dma_wait3A_21 : memref<512xf32, #tpu.memory_space<hbm>>)
      tpu.yield
    }) : () -> ()
    return
  }
}

module attributes {stable_mosaic.version = 14 : i64} {
  func.func @_rowsum_body(%arg0: i32, %arg1: memref<2x16x100352xf32, #tpu.memory_space<vmem>>, %arg2: memref<200704xf32, #tpu.memory_space<vmem>>) attributes {dimension_semantics = [#tpu.dimension_semantics<arbitrary>], iteration_bounds = array<i64: 13>, scalar_prefetch = 0 : i64, scratch_operands = 0 : i64, tpu.core_type = #tpu.core_type<tc>, window_params = [{transform_indices = @transform_0, window_bounds = array<i64: 2, 16, 100352>}, {transform_indices = @transform_1, window_bounds = array<i64: 200704>}]} {
    %get3A = arith.constant 0 : index
    %get3A_0 = arith.constant 0 : index
    %get3A_1 = arith.constant 0 : index
    %get3A_2 = vector.load %arg1[%get3A, %get3A_0, %get3A_1] : memref<2x16x100352xf32, #tpu.memory_space<vmem>>, vector<2x16x100352xf32>
    %reduce_sum3A = arith.constant dense<0.000000e+00> : vector<2x100352xf32>
    %reduce_sum3A_3 = vector.multi_reduction <add>, %get3A_2, %reduce_sum3A [1] : vector<2x16x100352xf32> to vector<2x100352xf32>
    %reshape3A = vector.shape_cast %reduce_sum3A_3 : vector<2x100352xf32> to vector<200704xf32>
    %swap3A = arith.constant 0 : index
    %swap3A_4 = vector.load %arg2[%swap3A] : memref<200704xf32, #tpu.memory_space<vmem>>, vector<200704xf32>
    tpu.vector_store %arg2[%swap3A], %reshape3A {strides = array<i32>} : memref<200704xf32, #tpu.memory_space<vmem>>, vector<200704xf32>,
    return
  }
  func.func @transform_0(%arg0: i32) -> (i32, i32, i32) {
    %c0_i32 = arith.constant 0 : i32
    %c0_i32_0 = arith.constant 0 : i32
    %c0_i32_1 = arith.constant 0 : i32
    return %arg0, %c0_i32, %c0_i32_0 : i32, i32, i32
  }
  func.func @transform_1(%arg0: i32) -> i32 {
    %c0_i32 = arith.constant 0 : i32
    return %arg0 : i32
  }
}

</mosaic_0001>

<sc_bundles>
// kernel: kernel.5.cloned.1.call-start
scs
__scs_entry_jumppad:
0x0: {  	(pc) =	sbr.rel $0x88, $3  }
0x1: {  	(tag) =	ssettag $0x0;
	lr =	simm.s32 $0x1  }
0x2: {  	[smem:$0x3F9D] =	sst lr;
	_ =	strace $0xD0000000  }
0x3: {  	_ = 	snop  }
0x4: {  	_ = 	snop  }
0x5: {  	_ = 	snop  }
0x6: {  	_ = 	snop  }
0x7: {  	_ = 	snop  }
__scs_overlays_trampoline_lowered:
0x8: {  	[smem:$0x3FAC] =	sst s0  }
0x9: {  	[smem:$0x3FAD] =	sst s1  }
0xa: {  	[smem:$0x3FAE] =	sst s2  }
0xb: {  	[smem:$0x3FAF] =	sst s3  }
0xc: {  	[smem:$0x3FB0] =	sst s4  }
0xd: {  	[smem:$0x3FB1] =	sst s5  }
0xe: {  	[smem:$0x3FB2] =	sst s6  }
0xf: {  	[smem:$0x3FB3] =	sst s7  }
0x10: {  	[smem:$0x3FB4] =	sst s8  }
0x11: {  	[smem:$0x3FB5] =	sst s9;
	s0 =	simm.s32 @!p0 $0x0  }
0x12: {  	s1 =	sld [smem:$0x3F9B];
	s0 =	simm.s32 @p0 $0x1  }
0x13: {  	[smem:$0x3FB6] =	sst s0;
	s0 =	simm.s32 @!p1 $0x0  }
0x14: {  	s2 =	sld [smem:$0x3F9A];
	s0 =	simm.s32 @p1 $0x1  }
0x15: {  	[smem:$0x3FB7] =	sst s0;
	s0 =	simm.s32 @!p2 $0x0  }
0x16: {  	s3 =	sld [smem:$0x3FDB];
	s0 =	simm.s32 @p2 $0x1  }
0x17: {  	s4 =	simm.s32 $0x1BF5;
	[smem:$0x3FB9] =	sst s0  }
0x18: {  	s0 =	sld [smem:$0x3F9C];
	_ =	swait.ge [sflag:s4], $0x0  }
0x19: {  	s7 =	sld [smem:$0x3F9D]  }
0x1a: {  	s8 =	sadd.s32 $0xFFFFE003, lr  }
0x1b: {  	s9 =	sadd.s32 $0xFFFFFEF7, lr;
	s5 =	simm.s32 $0xFFFFFFFF;
	p2 =	slt.u32 s8, $0xFFFFF086  }
0x1c: {  	p1 =	slt.u32 s9, $0xF7A;
	s5 =	simm.s32 @!p2 $0x0  }
0x1d: {  	s5 =	simm.s32 @p1 $0x1;
	p0 =	seq.s32 s7, s2  }
0x1e: {  	s7 =	smul.u32 @!p0 $0xF7A, s2;
	p2 =	seq.s32 @!p0 s5, $0x0  }
0x1f: {  	s9 =	smul.u32 $0xF7A, s1;
	s8 =	simm.s32 @!p0 $0x1BF5;
	p2 =	por !p2, p0  }
0x20: {  	[sflag:s8] =	ssyncset.s32 @!p0 $0xFFFFF086;
	s6 =	sadd.s32 @!p0 s3, s7;
	s7 =	simm.s32 @!p0 $0x108  }
0x21: {  	s3 =	sadd.s32 s3, s9;
	s6 =	sadd.s32 @!p0 $0x88, s6;
	s7 =	simm.s32 @p2 $0x1082  }
0x22: {  	[simem:s7], [sflag:s8] =	dma.local @!p0 [hbm:s6], $0xF7A  }
0x23: {  	s9 =	sor.u32 $0xD0000000, s2;
	s6 =	simm.s32 $0x108;
	_ =	swait.ge @!p0 [sflag:s8], $0x0  }
0x24: {  	s3 =	sadd.s32 $0x88, s3;
	s6 =	simm.s32 @!p1 $0x1082;
	[sflag:s4] =	ssyncset.s32 $0xFFFFF086  }
0x25: {  	[simem:s6], [sflag:s4] =	dma.local [hbm:s3], $0xF7A  }
0x26: {  	[smem:$0x3F9D] =	sst s1;
	(tag) =	ssettag s2;
	_ =	strace s9  }
0x27: {  	s1 =	sld [smem:$0x3FAD]  }
0x28: {  	s2 =	sld [smem:$0x3FAE]  }
0x29: {  	s4 =	sld [smem:$0x3FB0]  }
0x2a: {  	p0 =	seq.s32 s5, $0x0;
	s5 =	sld [smem:$0x3FB1]  }
0x2b: {  	s6 =	sld [smem:$0x3FB2]  }
0x2c: {  	s7 =	sld [smem:$0x3FB3]  }
0x2d: {  	s3 =	simm.s32 $0x108;
	s8 =	sld [smem:$0x3FB4]  }
0x2e: {  	s3 =	simm.s32 @!p0 $0x1082;
	s9 =	sld [smem:$0x3FB5]  }
0x2f: {  	lr =	sadd.s32 s0, s3;
	s0 =	sld [smem:$0x3FAC]  }
0x30: {  	s3 =	sld [smem:$0x3FAF]  }
0x31: {  	[smem:$0x3FB8] =	sst s10  }
0x32: {  	s10 =	sld [smem:$0x3FB6];
	_ =	sdelay $0x3  }
0x33: {  	p0 =	seq.s32 s10, $0x1;
	s10 =	sld [smem:$0x3FB8];
	_ =	sdelay $0x3  }
0x34: {  	[smem:$0x3FB8] =	sst s10  }
0x35: {  	s10 =	sld [smem:$0x3FB7];
	_ =	sdelay $0x3  }
0x36: {  	p1 =	seq.s32 s10, $0x1;
	s10 =	sld [smem:$0x3FB8];
	_ =	sdelay $0x3  }
0x37: {  	[smem:$0x3FB8] =	sst s10  }
0x38: {  	s10 =	sld [smem:$0x3FB9]  }
0x39: {  	_ = 	snop;
	(pc) =	sbr.ind lr, $3  }
0x3a: {  	_ = 	snop  }
0x3b: {  	_ = 	snop  }
0x3c: {  	p2 =	seq.s32 s10, $0x1;
	s10 =	sld [smem:$0x3FB8]  }
0x3d: {  	_ =	shalt  }
0x3e: {  	_ =	shalt  }
0x3f: {  	_ =	shalt  }
0x40: {  	_ =	shalt  }
0x41: {  	_ =	shalt  }
0x42: {  	_ =	shalt  }
0x43: {  	_ =	shalt  }
0x44: {  	_ =	shalt  }
0x45: {  	_ =	shalt  }
0x46: {  	_ =	shalt  }
0x47: {  	_ =	shalt  }
0x48: {  	_ =	shalt  }
0x49: {  	_ =	shalt  }
0x4a: {  	_ =	shalt  }
0x4b: {  	_ =	shalt  }
0x4c: {  	_ =	shalt  }
0x4d: {  	_ =	shalt  }
0x4e: {  	_ =	shalt  }
0x4f: {  	_ =	shalt  }
0x50: {  	_ =	shalt  }
0x51: {  	_ =	shalt  }
0x52: {  	_ =	shalt  }
0x53: {  	_ =	shalt  }
0x54: {  	_ =	shalt  }
0x55: {  	_ =	shalt  }
0x56: {  	_ =	shalt  }
0x57: {  	_ =	shalt  }
0x58: {  	_ =	shalt  }
0x59: {  	_ =	shalt  }
0x5a: {  	_ =	shalt  }
0x5b: {  	_ =	shalt  }
0x5c: {  	_ =	shalt  }
0x5d: {  	_ =	shalt  }
0x5e: {  	_ =	shalt  }
0x5f: {  	_ =	shalt  }
0x60: {  	_ =	shalt  }
0x61: {  	_ =	shalt  }
0x62: {  	_ =	shalt  }
0x63: {  	_ =	shalt  }
0x64: {  	_ =	shalt  }
0x65: {  	_ =	shalt  }
0x66: {  	_ =	shalt  }
0x67: {  	_ =	shalt  }
0x68: {  	_ =	shalt  }
0x69: {  	_ =	shalt  }
0x6a: {  	_ =	shalt  }
0x6b: {  	_ =	shalt  }
0x6c: {  	_ =	shalt  }
0x6d: {  	_ =	shalt  }
0x6e: {  	_ =	shalt  }
0x6f: {  	_ =	shalt  }
0x70: {  	_ =	shalt  }
0x71: {  	_ =	shalt  }
0x72: {  	_ =	shalt  }
0x73: {  	_ =	shalt  }
0x74: {  	_ =	shalt  }
0x75: {  	_ =	shalt  }
0x76: {  	_ =	shalt  }
0x77: {  	_ =	shalt  }
0x78: {  	_ =	shalt  }
0x79: {  	_ =	shalt  }
0x7a: {  	_ =	shalt  }
0x7b: {  	_ =	shalt  }
0x7c: {  	_ =	shalt  }
0x7d: {  	_ =	shalt  }
0x7e: {  	_ =	shalt  }
0x7f: {  	_ =	shalt  }
0x80: {  	_ =	shalt  }
0x81: {  	_ =	shalt  }
0x82: {  	_ =	shalt  }
0x83: {  	_ =	shalt  }
0x84: {  	_ =	shalt  }
0x85: {  	_ =	shalt  }
0x86: {  	_ =	shalt  }
0x87: {  	_ =	shalt  }
.Lfunc_end0:
.L_simem_size_0:
called_computation_lowered:
.L_overlay_start_0:
0x88: {  	s2 =	sld [smem:$0x3FD9]  }
0x89: {  	s3 =	sld [smem:$0x3FFE];
	_ =	sdelay $0x1  }
0x8a: {  	s1 =	srdreg.scid  }
0x8b: {  	s0 =	sand.u32 $0x1, s1  }
0x8c: {  	s17 =	sshll.u32 s0, $0xA;
	s2 =	sadd.s32 s3, s2  }
0x8d: {  	s2 =	sadd.s32 s2, s17  }
0x8e: {  	[smem:$0x3FC4] =	sst s2  }
0x8f: {  	_ = 	snop  }
0x90: {  	s2 =	sld [smem:$0x3FD0];
	(tm) =	ssettm $0x1  }
0x91: {  	s18 =	sld [smem:$0x3FFB];
	_ =	sdelay $0x3  }
0x92: {  	_ =	strace s18  }
0x93: {  	s3 =	sld [smem:$0x3FFC];
	_ =	sdelay $0x3  }
0x94: {  	_ =	strace s3  }
0x95: {  	s3 =	sld [smem:$0x3FFD];
	_ =	sdelay $0x3  }
0x96: {  	_ =	strace s3  }
0x97: {  	_ =	strace $0x8FFFFFFF  }
0x98: {  	s19 =	sld [smem:$0x3FDB];
	_ =	sdelay $0x1  }
0x99: {  	s4 =	simm.s32 $_scs_section_size  }
0x9a: {  	s5 =	simm.s32 $_size__tile_overlayer_lowered;
	s6 =	simm.s32 $_tile_overlayer_lowered  }
0x9b: {  	s22 =	simm.s32 $0x1BFF;
	s21 =	sshll.u32 s6, $0x1;
	s3 =	sadd.s32 s4, s19  }
0x9c: {  	s7 =	simm.s32 $0x0;
	s20 =	sshll.u32 s5, $0x1;
	s5 =	sadd.s32 s21, s3  }
0x9d: {  	[timem:s7], [sflag:s22] =	dma.local [hbm:s5], s20  }
0x9e: {  	_ =	swait.ge [sflag:s22], s20  }
0x9f: {  	s4 =	ssub.s32 $0x0, s20;
	[sflag:s22] =	ssyncset.done $0x0  }
0xa0: {  	[sflag:s22] =	ssyncadd.s32 s4;
	_ =	sdelay $0x1  }
0xa1: {  	s23 =	simm.s32 $0x1B8B  }
0xa2: {  	_ =	swait.ge [sflag:s23], $0x1  }
0xa3: {  	[sflag:s23] =	ssyncset.done $0x0  }
0xa4: {  	s25 =	simm.s32 $0x1B8E;
	s24 =	sld [smem:$0x3FFE];
	[sflag:s23] =	ssyncadd.s32 $0xFFFFFFFF  }
0xa5: {  	s26 =	simm.s32 $execute0_lowered;
	[smem:$0x3FD2] =	sst s25  }
0xa6: {  	s5 =	sshll.u32 s26, $0x1;
	_ =	strace $0x80000046;
	[dreg:$0x1] =	wrdreg $0xFFFFFFFF  }
0xa7: {  	s28 =	simm.s32 $_size_execute0_lowered;
	s3 =	sadd.s32 s3, s5;
	[dreg:$0x0] =	wrdreg $0x0  }
0xa8: {  	s5 =	sshll.u32 s28, $0x1;
	[dreg:$0x2] =	wrdreg s3  }
0xa9: {  	[dreg:$0x3] =	wrdreg s5  }
0xaa: {  	[dreg:$0x4] =	wrdreg $0xC0  }
0xab: {  	_ =	task [dreg:s7], $0x5FFFF  }
0xac: {  	[dreg:$0x1] =	wrdreg $0xFFFFFFFF  }
0xad: {  	[dreg:$0x0] =	wrdreg $0x60  }
0xae: {  	[dreg:$0x2] =	wrdreg s24  }
0xaf: {  	[dreg:$0x3] =	wrdreg s2  }
0xb0: {  	[dreg:$0x4] =	wrdreg $0x9  }
0xb1: {  	_ =	task.clear_ibuf [dreg:s7], $0x5FFFF;
	_ =	strace $0x90000046  }
0xb2: {  	s29 =	simm.s32 $0x9;
	_ =	strace $0x80000048  }
0xb3: {  	_ =	swait.ge [sflag:s29], $0x1  }
0xb4: {  	[sflag:s29] =	ssyncadd.s32 $0xFFFFFFFF  }
0xb5: {  	_ =	strace $0x90000048  }
0xb6: {  	_ =	sfence  }
0xb7: {  	s30 =	sld [smem:$0x0];
	_ =	sdelay $0x2  }
0xb8: {  	s31 =	sshll.u32 s1, $0xD;
	s1 =	sshrl.u32 s1, $0x2  }
0xb9: {  	s3 =	sand.u32 $0x4000, s31;
	s1 =	sadd.s32 s1, s30  }
0xba: {  	s0 =	sor.u32 s3, s0;
	s1 =	sshll.u32 s1, $0x11  }
0xbb: {  	s0 =	sor.u32 s1, s0  }
0xbc: {  	s0 =	sadd.s32 $0x8F2B, s0  }
0xbd: {  	[sflag:s0] =	ssyncadd.remote.s32 $0x1  }
0xbe: {  	_ =	sfence.sel $0xFFFF  }
0xbf: {  	[dreg:$0x0] =	wrdreg $0xFFFFFFFF;
	(pc) =	sbr.abs _section_cstart, $3  }
0xc0: {  	[dreg:$0x1] =	wrdreg $0xFFFFFFFF  }
0xc1: {  	_ =	task.clear_ibuf [dreg:s7], $0x2FFFF;
	_ =	strace $0x9FFFFFFF  }
0xc2: {  	(tm) =	ssettm $0x7FFFFFFF  }
0xc3: {  	_ =	shalt  }
tec
execute0_lowered:
.L_overlay_start_1:
0x0: {  	(tag) =	ssettag $0x1  }
0x1: {  	s5 =	rddreg [dreg:$0x0]  }
0x2: {  	s2 =	rddreg [dreg:$0x1]  }
0x3: {  	s0 =	rddreg [dreg:$0x2];
	s4 =	srdreg.scid  }
0x4: {  	s1 =	stileid.u32;
	s3 =	simm.s32 $0x0;
	s11 =	simm.s32 $0x1  }
0x5: {  	s12 =	simm.s32 $0x8400;
	s13 =	simm.s32 $0x84D0;
	s14 =	simm.s32 $0x4E00  }
0x6: {  	s15 =	simm.s32 $0x8200;
	s4 =	sand.u32 $0x1, s4;
	s6 =	sshll.u32 s1, $0x1  }
0x7: {  	s16 =	simm.s32 $0x0;
	[smem:$0x7FF] =	sst s3;
	s6 =	sor.u32 s4, s6  }
0x8: {  	_ =	strace $0x80000047;
	s8 =	ssub.s32 $0x2, s4;
	s4 =	sadd.s32 $0x14800, s5  }
0x9: {  	s7 =	smul.u32 $0x680, s6;
	s6 =	sshll.u32 s6, $0x6;
	s9 =	sshrl.u32 s8, $0x1  }
0xa: {  	s10 =	sadd.s32 s6, s5;
	s8 =	ssub.s32 s8, s9;
	s9 =	simm.s32 $0x200  }
0xb: {  	s7 =	sadd.s32 s7, s5;
	s5 =	sadd.s32 $0x1000, s10;
	s8 =	smax.u32 s8, $0x1  }
0xc: {  	s6 =	sadd.s32 $0x14A00, s7;
	s7 =	sadd.s32 $0x21A00, s10;
	s10 =	simm.s32 $0x4000  }
.LBB2_1:
0xd: {  	[tilespmem:s3], [sflag:$0x1] =	stream.strided.gather [hbm4b:s5+s9], $0x4E00, s10, s9, $0x38;
	[tilespmem:$0x84E0] =	vst v63  }
0xe: {  	_ =	swait.ge [sflag:s11], $0x4E00  }
0xf: {  	[sflag:s11] =	ssyncset.done $0x0  }
0x10: {  	[sflag:s11] =	ssyncadd.s32 $0xFFFFB200  }
0x11: {  	[tilespmem:s12], [sflag:$0x1] =	stream.linear.gather [hbm4b:s2+s3], $0xD0, $0x38;
	[tilespmem:$0x84E0] =	vst v63  }
0x12: {  	_ =	swait.ge [sflag:s11], $0xD0  }
0x13: {  	[sflag:s11] =	ssyncset.done $0x0  }
0x14: {  	[sflag:s11] =	ssyncadd.s32 $0xFFFFFF30  }
0x15: {  	[tilespmem:s13], [sflag:$0x1] =	stream.linear.gather [hbm4b:s4+s3], $0x10, $0x38;
	[tilespmem:$0x84E0] =	vst v63  }
0x16: {  	_ =	swait.ge [sflag:s11], $0x10  }
0x17: {  	[sflag:s11] =	ssyncset.done $0x0  }
0x18: {  	s18 =	simm.s32 $0x1BF0;
	[sflag:s11] =	ssyncadd.s32 $0xFFFFFFF0  }
0x19: {  	v0 =	vld [tilespmem:s18+$0xFFFFFE10];
	_ =	sdelay $0x4  }
0x1a: {  	v0 =	vtrunc.f32 v0  }
0x1b: {  	v0 =	vcvt.f32.s32 v0;
	_ =	sdelay $0x1  }
0x1c: {  	s17 =	simm.s32 $0x4F00;
	v0 =	vadd.s32 s3, v0  }
0x1d: {  	[tilespmem:s17+$0xFFFFFF00] =	vst v0  }
0x1e: {  	v0 =	vld [tilespmem:s18+$0xFFFFFE20];
	_ =	sdelay $0x4  }
0x1f: {  	v0 =	vtrunc.f32 v0  }
0x20: {  	v0 =	vcvt.f32.s32 v0;
	_ =	sdelay $0x1  }
0x21: {  	v0 =	vadd.s32 s3, v0  }
0x22: {  	[tilespmem:s17+$0xFFFFFF10] =	vst v0  }
0x23: {  	v0 =	vld [tilespmem:s18+$0xFFFFFE30];
	_ =	sdelay $0x4  }
0x24: {  	v0 =	vtrunc.f32 v0  }
0x25: {  	v0 =	vcvt.f32.s32 v0;
	_ =	sdelay $0x1  }
0x26: {  	v0 =	vadd.s32 s3, v0  }
0x27: {  	[tilespmem:s17+$0xFFFFFF20] =	vst v0  }
0x28: {  	v0 =	vld [tilespmem:s18+$0xFFFFFE40];
	_ =	sdelay $0x4  }
0x29: {  	v0 =	vtrunc.f32 v0  }
0x2a: {  	v0 =	vcvt.f32.s32 v0;
	_ =	sdelay $0x1  }
0x2b: {  	v0 =	vadd.s32 s3, v0  }
0x2c: {  	[tilespmem:s17+$0xFFFFFF30] =	vst v0  }
0x2d: {  	v0 =	vld [tilespmem:s18+$0xFFFFFE50];
	_ =	sdelay $0x4  }
0x2e: {  	v0 =	vtrunc.f32 v0  }
0x2f: {  	v0 =	vcvt.f32.s32 v0;
	_ =	sdelay $0x1  }
0x30: {  	v0 =	vadd.s32 s3, v0  }
0x31: {  	[tilespmem:s17+$0xFFFFFF40] =	vst v0  }
0x32: {  	v0 =	vld [tilespmem:s18+$0xFFFFFE60];
	_ =	sdelay $0x4  }
0x33: {  	v0 =	vtrunc.f32 v0  }
0x34: {  	v0 =	vcvt.f32.s32 v0;
	_ =	sdelay $0x1  }
0x35: {  	v0 =	vadd.s32 s3, v0  }
0x36: {  	[tilespmem:s17+$0xFFFFFF50] =	vst v0  }
0x37: {  	v0 =	vld [tilespmem:s18+$0xFFFFFE70];
	_ =	sdelay $0x4  }
0x38: {  	v0 =	vtrunc.f32 v0  }
0x39: {  	v0 =	vcvt.f32.s32 v0;
	_ =	sdelay $0x1  }
0x3a: {  	v0 =	vadd.s32 s3, v0  }
0x3b: {  	[tilespmem:s17+$0xFFFFFF60] =	vst v0  }
0x3c: {  	v0 =	vld [tilespmem:s18+$0xFFFFFE80];
	_ =	sdelay $0x4  }
0x3d: {  	v0 =	vtrunc.f32 v0  }
0x3e: {  	v0 =	vcvt.f32.s32 v0;
	_ =	sdelay $0x1  }
0x3f: {  	v0 =	vadd.s32 s3, v0  }
0x40: {  	[tilespmem:s17+$0xFFFFFF70] =	vst v0  }
0x41: {  	v0 =	vld [tilespmem:s18+$0xFFFFFE90];
	_ =	sdelay $0x4  }
0x42: {  	v0 =	vtrunc.f32 v0  }
0x43: {  	v0 =	vcvt.f32.s32 v0;
	_ =	sdelay $0x1  }
0x44: {  	v0 =	vadd.s32 s3, v0  }
0x45: {  	[tilespmem:s17+$0xFFFFFF80] =	vst v0  }
0x46: {  	v0 =	vld [tilespmem:s18+$0xFFFFFEA0];
	_ =	sdelay $0x4  }
0x47: {  	v0 =	vtrunc.f32 v0  }
0x48: {  	v0 =	vcvt.f32.s32 v0;
	_ =	sdelay $0x1  }
0x49: {  	v0 =	vadd.s32 s3, v0  }
0x4a: {  	[tilespmem:s17+$0xFFFFFF90] =	vst v0  }
0x4b: {  	v0 =	vld [tilespmem:s18+$0xFFFFFEB0];
	_ =	sdelay $0x4  }
0x4c: {  	v0 =	vtrunc.f32 v0  }
0x4d: {  	v0 =	vcvt.f32.s32 v0;
	_ =	sdelay $0x1  }
0x4e: {  	v0 =	vadd.s32 s3, v0  }
0x4f: {  	[tilespmem:s17+$0xFFFFFFA0] =	vst v0  }
0x50: {  	v0 =	vld [tilespmem:s18+$0xFFFFFEC0];
	_ =	sdelay $0x4  }
0x51: {  	v0 =	vtrunc.f32 v0  }
0x52: {  	v0 =	vcvt.f32.s32 v0;
	_ =	sdelay $0x1  }
0x53: {  	v0 =	vadd.s32 s3, v0  }
0x54: {  	[tilespmem:s17+$0xFFFFFFB0] =	vst v0  }
0x55: {  	v0 =	vld [tilespmem:s18+$0xFFFFFED0];
	_ =	sdelay $0x4  }
0x56: {  	v0 =	vtrunc.f32 v0  }
0x57: {  	v0 =	vcvt.f32.s32 v0;
	_ =	sdelay $0x1  }
0x58: {  	v0 =	vadd.s32 s3, v0  }
0x59: {  	[tilespmem:s17+$0xFFFFFFC0] =	vst v0  }
0x5a: {  	v0 =	vld [tilespmem:s18+$0xFFFFFEE0];
	_ =	sdelay $0x4  }
0x5b: {  	v0 =	vtrunc.f32 v0  }
0x5c: {  	v0 =	vcvt.f32.s32 v0;
	_ =	sdelay $0x1  }
0x5d: {  	v0 =	vadd.s32 s3, v0  }
0x5e: {  	[tilespmem:s17+$0xFFFFFFD0] =	vst v0  }
0x5f: {  	v0 =	vld [tilespmem:s18+$0xFFFFFEF0];
	_ =	sdelay $0x4  }
0x60: {  	v0 =	vtrunc.f32 v0  }
0x61: {  	v0 =	vcvt.f32.s32 v0;
	_ =	sdelay $0x1  }
0x62: {  	v0 =	vadd.s32 s3, v0  }
0x63: {  	[tilespmem:s17+$0xFFFFFFE0] =	vst v0  }
0x64: {  	v0 =	vld [tilespmem:s18+$0xFFFFFF00];
	_ =	sdelay $0x4  }
0x65: {  	v0 =	vtrunc.f32 v0  }
0x66: {  	v0 =	vcvt.f32.s32 v0;
	_ =	sdelay $0x1  }
0x67: {  	v0 =	vadd.s32 s3, v0  }
0x68: {  	[tilespmem:s17+$0xFFFFFFF0] =	vst v0  }
0x69: {  	v0 =	vld [tilespmem:s18+$0xFFFFFF10];
	_ =	sdelay $0x4  }
0x6a: {  	v0 =	vtrunc.f32 v0  }
0x6b: {  	v0 =	vcvt.f32.s32 v0;
	_ =	sdelay $0x1  }
0x6c: {  	v0 =	vadd.s32 s3, v0  }
0x6d: {  	[tilespmem:s17+$0x0] =	vst v0  }
0x6e: {  	v0 =	vld [tilespmem:s18+$0xFFFFFF20];
	_ =	sdelay $0x4  }
0x6f: {  	v0 =	vtrunc.f32 v0  }
0x70: {  	v0 =	vcvt.f32.s32 v0;
	_ =	sdelay $0x1  }
0x71: {  	v0 =	vadd.s32 s3, v0  }
0x72: {  	[tilespmem:s17+$0x10] =	vst v0  }
0x73: {  	v0 =	vld [tilespmem:s18+$0xFFFFFF30];
	_ =	sdelay $0x4  }
0x74: {  	v0 =	vtrunc.f32 v0  }
0x75: {  	v0 =	vcvt.f32.s32 v0;
	_ =	sdelay $0x1  }
0x76: {  	v0 =	vadd.s32 s3, v0  }
0x77: {  	[tilespmem:s17+$0x20] =	vst v0  }
0x78: {  	v0 =	vld [tilespmem:s18+$0xFFFFFF40];
	_ =	sdelay $0x4  }
0x79: {  	v0 =	vtrunc.f32 v0  }
0x7a: {  	v0 =	vcvt.f32.s32 v0;
	_ =	sdelay $0x1  }
0x7b: {  	v0 =	vadd.s32 s3, v0  }
0x7c: {  	[tilespmem:s17+$0x30] =	vst v0  }
0x7d: {  	v0 =	vld [tilespmem:s18+$0xFFFFFF50];
	_ =	sdelay $0x4  }
0x7e: {  	v0 =	vtrunc.f32 v0  }
0x7f: {  	v0 =	vcvt.f32.s32 v0;
	_ =	sdelay $0x1  }
0x80: {  	v0 =	vadd.s32 s3, v0  }
0x81: {  	[tilespmem:s17+$0x40] =	vst v0  }
0x82: {  	v0 =	vld [tilespmem:s18+$0xFFFFFF60];
	_ =	sdelay $0x4  }
0x83: {  	v0 =	vtrunc.f32 v0  }
0x84: {  	v0 =	vcvt.f32.s32 v0;
	_ =	sdelay $0x1  }
0x85: {  	v0 =	vadd.s32 s3, v0  }
0x86: {  	[tilespmem:s17+$0x50] =	vst v0  }
0x87: {  	v0 =	vld [tilespmem:s18+$0xFFFFFF70];
	_ =	sdelay $0x4  }
0x88: {  	v0 =	vtrunc.f32 v0  }
0x89: {  	v0 =	vcvt.f32.s32 v0;
	_ =	sdelay $0x1  }
0x8a: {  	v0 =	vadd.s32 s3, v0  }
0x8b: {  	[tilespmem:s17+$0x60] =	vst v0  }
0x8c: {  	v0 =	vld [tilespmem:s18+$0xFFFFFF80];
	_ =	sdelay $0x4  }
0x8d: {  	v0 =	vtrunc.f32 v0  }
0x8e: {  	v0 =	vcvt.f32.s32 v0;
	_ =	sdelay $0x1  }
0x8f: {  	v0 =	vadd.s32 s3, v0  }
0x90: {  	[tilespmem:s17+$0x70] =	vst v0  }
0x91: {  	v0 =	vld [tilespmem:s18+$0xFFFFFF90];
	_ =	sdelay $0x4  }
0x92: {  	v0 =	vtrunc.f32 v0  }
0x93: {  	v0 =	vcvt.f32.s32 v0;
	_ =	sdelay $0x1  }
0x94: {  	v0 =	vadd.s32 s3, v0  }
0x95: {  	[tilespmem:s17+$0x80] =	vst v0  }
0x96: {  	v0 =	vld [tilespmem:s18+$0xFFFFFFA0];
	_ =	sdelay $0x4  }
0x97: {  	v0 =	vtrunc.f32 v0  }
0x98: {  	v0 =	vcvt.f32.s32 v0;
	_ =	sdelay $0x1  }
0x99: {  	v0 =	vadd.s32 s3, v0  }
0x9a: {  	[tilespmem:s17+$0x90] =	vst v0  }
0x9b: {  	v0 =	vld [tilespmem:s18+$0xFFFFFFB0];
	_ =	sdelay $0x4  }
0x9c: {  	v0 =	vtrunc.f32 v0  }
0x9d: {  	v0 =	vcvt.f32.s32 v0;
	_ =	sdelay $0x1  }
0x9e: {  	v0 =	vadd.s32 s3, v0  }
0x9f: {  	[tilespmem:s17+$0xA0] =	vst v0  }
0xa0: {  	v0 =	vld [tilespmem:s18+$0xFFFFFFC0];
	_ =	sdelay $0x4  }
0xa1: {  	v0 =	vtrunc.f32 v0  }
0xa2: {  	v0 =	vcvt.f32.s32 v0;
	_ =	sdelay $0x1  }
0xa3: {  	v0 =	vadd.s32 s3, v0  }
0xa4: {  	[tilespmem:s17+$0xB0] =	vst v0  }
0xa5: {  	v0 =	vld [tilespmem:s18+$0xFFFFFFD0];
	_ =	sdelay $0x4  }
0xa6: {  	v0 =	vtrunc.f32 v0  }
0xa7: {  	v0 =	vcvt.f32.s32 v0;
	_ =	sdelay $0x1  }
0xa8: {  	v0 =	vadd.s32 s3, v0  }
0xa9: {  	[tilespmem:s17+$0xC0] =	vst v0  }
0xaa: {  	v0 =	vld [tilespmem:s18+$0xFFFFFFE0];
	_ =	sdelay $0x4  }
0xab: {  	v0 =	vtrunc.f32 v0  }
0xac: {  	v0 =	vcvt.f32.s32 v0;
	_ =	sdelay $0x1  }
0xad: {  	v0 =	vadd.s32 s3, v0  }
0xae: {  	[tilespmem:s17+$0xD0] =	vst v0  }
0xaf: {  	v0 =	vld [tilespmem:s18+$0xFFFFFFF0];
	_ =	sdelay $0x4  }
0xb0: {  	v0 =	vtrunc.f32 v0  }
0xb1: {  	v0 =	vcvt.f32.s32 v0;
	_ =	sdelay $0x1  }
0xb2: {  	v0 =	vadd.s32 s3, v0  }
0xb3: {  	[tilespmem:s17+$0xE0] =	vst v0  }
0xb4: {  	v0 =	vld [tilespmem:s18+$0x0];
	_ =	sdelay $0x4  }
0xb5: {  	v0 =	vtrunc.f32 v0  }
0xb6: {  	v0 =	vcvt.f32.s32 v0;
	_ =	sdelay $0x1  }
0xb7: {  	v0 =	vadd.s32 s3, v0  }
0xb8: {  	s19 =	simm.s32 $0x1DF0;
	[tilespmem:s17+$0xF0] =	vst v0  }
0xb9: {  	s20 =	simm.s32 $0x31000;
	s18 =	simm.s32 $0x18800;
	v0 =	vld [tilespmem:s19+$0xFFFFFE10]  }
.LBB2_2:
0xba: {  	p0 =	sne.s32 s20, $0x264800;
	_ =	sdelay $0x3  }
0xbb: {  	v0 =	vtrunc.f32 v0  }
0xbc: {  	v0 =	vcvt.f32.s32 v0;
	_ =	sdelay $0x1  }
0xbd: {  	s17 =	sadd.s32 $0x200, s17;
	v0 =	vadd.s32 s18, v0  }
0xbe: {  	[tilespmem:s17+$0xFFFFFF00] =	vst v0  }
0xbf: {  	v0 =	vld [tilespmem:s19+$0xFFFFFE20];
	_ =	sdelay $0x4  }
0xc0: {  	v0 =	vtrunc.f32 v0  }
0xc1: {  	v0 =	vcvt.f32.s32 v0;
	_ =	sdelay $0x1  }
0xc2: {  	v0 =	vadd.s32 s18, v0  }
0xc3: {  	[tilespmem:s17+$0xFFFFFF10] =	vst v0  }
0xc4: {  	v0 =	vld [tilespmem:s19+$0xFFFFFE30];
	_ =	sdelay $0x4  }
0xc5: {  	v0 =	vtrunc.f32 v0  }
0xc6: {  	v0 =	vcvt.f32.s32 v0;
	_ =	sdelay $0x1  }
0xc7: {  	v0 =	vadd.s32 s18, v0  }
0xc8: {  	[tilespmem:s17+$0xFFFFFF20] =	vst v0  }
0xc9: {  	v0 =	vld [tilespmem:s19+$0xFFFFFE40];
	_ =	sdelay $0x4  }
0xca: {  	v0 =	vtrunc.f32 v0  }
0xcb: {  	v0 =	vcvt.f32.s32 v0;
	_ =	sdelay $0x1  }
0xcc: {  	v0 =	vadd.s32 s18, v0  }
0xcd: {  	[tilespmem:s17+$0xFFFFFF30] =	vst v0  }
0xce: {  	v0 =	vld [tilespmem:s19+$0xFFFFFE50];
	_ =	sdelay $0x4  }
0xcf: {  	v0 =	vtrunc.f32 v0  }
0xd0: {  	v0 =	vcvt.f32.s32 v0;
	_ =	sdelay $0x1  }
0xd1: {  	v0 =	vadd.s32 s18, v0  }
0xd2: {  	[tilespmem:s17+$0xFFFFFF40] =	vst v0  }
0xd3: {  	v0 =	vld [tilespmem:s19+$0xFFFFFE60];
	_ =	sdelay $0x4  }
0xd4: {  	v0 =	vtrunc.f32 v0  }
0xd5: {  	v0 =	vcvt.f32.s32 v0;
	_ =	sdelay $0x1  }
0xd6: {  	v0 =	vadd.s32 s18, v0  }
0xd7: {  	[tilespmem:s17+$0xFFFFFF50] =	vst v0  }
0xd8: {  	v0 =	vld [tilespmem:s19+$0xFFFFFE70];
	_ =	sdelay $0x4  }
0xd9: {  	v0 =	vtrunc.f32 v0  }
0xda: {  	v0 =	vcvt.f32.s32 v0;
	_ =	sdelay $0x1  }
0xdb: {  	v0 =	vadd.s32 s18, v0  }
0xdc: {  	[tilespmem:s17+$0xFFFFFF60] =	vst v0  }
0xdd: {  	v0 =	vld [tilespmem:s19+$0xFFFFFE80];
	_ =	sdelay $0x4  }
0xde: {  	v0 =	vtrunc.f32 v0  }
0xdf: {  	v0 =	vcvt.f32.s32 v0;
	_ =	sdelay $0x1  }
0xe0: {  	v0 =	vadd.s32 s18, v0  }
0xe1: {  	[tilespmem:s17+$0xFFFFFF70] =	vst v0  }
0xe2: {  	v0 =	vld [tilespmem:s19+$0xFFFFFE90];
	_ =	sdelay $0x4  }
0xe3: {  	v0 =	vtrunc.f32 v0  }
0xe4: {  	v0 =	vcvt.f32.s32 v0;
	_ =	sdelay $0x1  }
0xe5: {  	v0 =	vadd.s32 s18, v0  }
0xe6: {  	[tilespmem:s17+$0xFFFFFF80] =	vst v0  }
0xe7: {  	v0 =	vld [tilespmem:s19+$0xFFFFFEA0];
	_ =	sdelay $0x4  }
0xe8: {  	v0 =	vtrunc.f32 v0  }
0xe9: {  	v0 =	vcvt.f32.s32 v0;
	_ =	sdelay $0x1  }
0xea: {  	v0 =	vadd.s32 s18, v0  }
0xeb: {  	[tilespmem:s17+$0xFFFFFF90] =	vst v0  }
0xec: {  	v0 =	vld [tilespmem:s19+$0xFFFFFEB0];
	_ =	sdelay $0x4  }
0xed: {  	v0 =	vtrunc.f32 v0  }
0xee: {  	v0 =	vcvt.f32.s32 v0;
	_ =	sdelay $0x1  }
0xef: {  	v0 =	vadd.s32 s18, v0  }
0xf0: {  	[tilespmem:s17+$0xFFFFFFA0] =	vst v0  }
0xf1: {  	v0 =	vld [tilespmem:s19+$0xFFFFFEC0];
	_ =	sdelay $0x4  }
0xf2: {  	v0 =	vtrunc.f32 v0  }
0xf3: {  	v0 =	vcvt.f32.s32 v0;
	_ =	sdelay $0x1  }
0xf4: {  	v0 =	vadd.s32 s18, v0  }
0xf5: {  	[tilespmem:s17+$0xFFFFFFB0] =	vst v0  }
0xf6: {  	v0 =	vld [tilespmem:s19+$0xFFFFFED0];
	_ =	sdelay $0x4  }
0xf7: {  	v0 =	vtrunc.f32 v0  }
0xf8: {  	v0 =	vcvt.f32.s32 v0;
	_ =	sdelay $0x1  }
0xf9: {  	v0 =	vadd.s32 s18, v0  }
0xfa: {  	[tilespmem:s17+$0xFFFFFFC0] =	vst v0  }
0xfb: {  	v0 =	vld [tilespmem:s19+$0xFFFFFEE0];
	_ =	sdelay $0x4  }
0xfc: {  	v0 =	vtrunc.f32 v0  }
0xfd: {  	v0 =	vcvt.f32.s32 v0;
	_ =	sdelay $0x1  }
0xfe: {  	v0 =	vadd.s32 s18, v0  }
0xff: {  	[tilespmem:s17+$0xFFFFFFD0] =	vst v0  }
0x100: {  	v0 =	vld [tilespmem:s19+$0xFFFFFEF0];
	_ =	sdelay $0x4  }
0x101: {  	v0 =	vtrunc.f32 v0  }
0x102: {  	v0 =	vcvt.f32.s32 v0;
	_ =	sdelay $0x1  }
0x103: {  	v0 =	vadd.s32 s18, v0  }
0x104: {  	[tilespmem:s17+$0xFFFFFFE0] =	vst v0  }
0x105: {  	v0 =	vld [tilespmem:s19+$0xFFFFFF00];
	_ =	sdelay $0x4  }
0x106: {  	v0 =	vtrunc.f32 v0  }
0x107: {  	v0 =	vcvt.f32.s32 v0;
	_ =	sdelay $0x1  }
0x108: {  	v0 =	vadd.s32 s18, v0  }
0x109: {  	[tilespmem:s17+$0xFFFFFFF0] =	vst v0  }
0x10a: {  	v0 =	vld [tilespmem:s19+$0xFFFFFF10];
	_ =	sdelay $0x4  }
0x10b: {  	v0 =	vtrunc.f32 v0  }
0x10c: {  	v0 =	vcvt.f32.s32 v0;
	_ =	sdelay $0x1  }
0x10d: {  	v0 =	vadd.s32 s18, v0  }
0x10e: {  	[tilespmem:s17+$0x0] =	vst v0  }
0x10f: {  	v0 =	vld [tilespmem:s19+$0xFFFFFF20];
	_ =	sdelay $0x4  }
0x110: {  	v0 =	vtrunc.f32 v0  }
0x111: {  	v0 =	vcvt.f32.s32 v0;
	_ =	sdelay $0x1  }
0x112: {  	v0 =	vadd.s32 s18, v0  }
0x113: {  	[tilespmem:s17+$0x10] =	vst v0  }
0x114: {  	v0 =	vld [tilespmem:s19+$0xFFFFFF30];
	_ =	sdelay $0x4  }
0x115: {  	v0 =	vtrunc.f32 v0  }
0x116: {  	v0 =	vcvt.f32.s32 v0;
	_ =	sdelay $0x1  }
0x117: {  	v0 =	vadd.s32 s18, v0  }
0x118: {  	[tilespmem:s17+$0x20] =	vst v0  }
0x119: {  	v0 =	vld [tilespmem:s19+$0xFFFFFF40];
	_ =	sdelay $0x4  }
0x11a: {  	v0 =	vtrunc.f32 v0  }
0x11b: {  	v0 =	vcvt.f32.s32 v0;
	_ =	sdelay $0x1  }
0x11c: {  	v0 =	vadd.s32 s18, v0  }
0x11d: {  	[tilespmem:s17+$0x30] =	vst v0  }
0x11e: {  	v0 =	vld [tilespmem:s19+$0xFFFFFF50];
	_ =	sdelay $0x4  }
0x11f: {  	v0 =	vtrunc.f32 v0  }
0x120: {  	v0 =	vcvt.f32.s32 v0;
	_ =	sdelay $0x1  }
0x121: {  	v0 =	vadd.s32 s18, v0  }
0x122: {  	[tilespmem:s17+$0x40] =	vst v0  }
0x123: {  	v0 =	vld [tilespmem:s19+$0xFFFFFF60];
	_ =	sdelay $0x4  }
0x124: {  	v0 =	vtrunc.f32 v0  }
0x125: {  	v0 =	vcvt.f32.s32 v0;
	_ =	sdelay $0x1  }
0x126: {  	v0 =	vadd.s32 s18, v0  }
0x127: {  	[tilespmem:s17+$0x50] =	vst v0  }
0x128: {  	v0 =	vld [tilespmem:s19+$0xFFFFFF70];
	_ =	sdelay $0x4  }
0x129: {  	v0 =	vtrunc.f32 v0  }
0x12a: {  	v0 =	vcvt.f32.s32 v0;
	_ =	sdelay $0x1  }
0x12b: {  	v0 =	vadd.s32 s18, v0  }
0x12c: {  	[tilespmem:s17+$0x60] =	vst v0  }
0x12d: {  	v0 =	vld [tilespmem:s19+$0xFFFFFF80];
	_ =	sdelay $0x4  }
0x12e: {  	v0 =	vtrunc.f32 v0  }
0x12f: {  	v0 =	vcvt.f32.s32 v0;
	_ =	sdelay $0x1  }
0x130: {  	v0 =	vadd.s32 s18, v0  }
0x131: {  	[tilespmem:s17+$0x70] =	vst v0  }
0x132: {  	v0 =	vld [tilespmem:s19+$0xFFFFFF90];
	_ =	sdelay $0x4  }
0x133: {  	v0 =	vtrunc.f32 v0  }
0x134: {  	v0 =	vcvt.f32.s32 v0;
	_ =	sdelay $0x1  }
0x135: {  	v0 =	vadd.s32 s18, v0  }
0x136: {  	[tilespmem:s17+$0x80] =	vst v0  }
0x137: {  	v0 =	vld [tilespmem:s19+$0xFFFFFFA0];
	_ =	sdelay $0x4  }
0x138: {  	v0 =	vtrunc.f32 v0  }
0x139: {  	v0 =	vcvt.f32.s32 v0;
	_ =	sdelay $0x1  }
0x13a: {  	v0 =	vadd.s32 s18, v0  }
0x13b: {  	[tilespmem:s17+$0x90] =	vst v0  }
0x13c: {  	v0 =	vld [tilespmem:s19+$0xFFFFFFB0];
	_ =	sdelay $0x4  }
0x13d: {  	v0 =	vtrunc.f32 v0  }
0x13e: {  	v0 =	vcvt.f32.s32 v0;
	_ =	sdelay $0x1  }
0x13f: {  	v0 =	vadd.s32 s18, v0  }
0x140: {  	[tilespmem:s17+$0xA0] =	vst v0  }
0x141: {  	v0 =	vld [tilespmem:s19+$0xFFFFFFC0];
	_ =	sdelay $0x4  }
0x142: {  	v0 =	vtrunc.f32 v0  }
0x143: {  	v0 =	vcvt.f32.s32 v0;
	_ =	sdelay $0x1  }
0x144: {  	v0 =	vadd.s32 s18, v0  }
0x145: {  	[tilespmem:s17+$0xB0] =	vst v0  }
0x146: {  	v0 =	vld [tilespmem:s19+$0xFFFFFFD0];
	_ =	sdelay $0x4  }
0x147: {  	v0 =	vtrunc.f32 v0  }
0x148: {  	v0 =	vcvt.f32.s32 v0;
	_ =	sdelay $0x1  }
0x149: {  	v0 =	vadd.s32 s18, v0  }
0x14a: {  	[tilespmem:s17+$0xC0] =	vst v0  }
0x14b: {  	v0 =	vld [tilespmem:s19+$0xFFFFFFE0];
	_ =	sdelay $0x4  }
0x14c: {  	v0 =	vtrunc.f32 v0  }
0x14d: {  	v0 =	vcvt.f32.s32 v0;
	_ =	sdelay $0x1  }
0x14e: {  	v0 =	vadd.s32 s18, v0  }
0x14f: {  	[tilespmem:s17+$0xD0] =	vst v0  }
0x150: {  	v0 =	vld [tilespmem:s19+$0xFFFFFFF0];
	_ =	sdelay $0x4  }
0x151: {  	v0 =	vtrunc.f32 v0  }
0x152: {  	v0 =	vcvt.f32.s32 v0;
	_ =	sdelay $0x1  }
0x153: {  	v0 =	vadd.s32 s18, v0  }
0x154: {  	[tilespmem:s17+$0xE0] =	vst v0  }
0x155: {  	v0 =	vld [tilespmem:s19+$0x0];
	_ =	sdelay $0x4  }
0x156: {  	v0 =	vtrunc.f32 v0  }
.Ltmp0:
0x157: {  	v0 =	vcvt.f32.s32 v0;
	(pc) =	sbr.rel @p0 .LBB2_2-.Ltmp0, $4  }
0x158: {  	_ = 	snop  }
0x159: {  	v0 =	vadd.s32 s18, v0;
	s18 =	smov.u32 s20  }
0x15a: {  	s19 =	sadd.s32 $0x200, s19;
	[tilespmem:s17+$0xF0] =	vst v0  }
0x15b: {  	s20 =	sadd.s32 $0x18800, s20;
	v0 =	vld [tilespmem:s19+$0xFFFFFE10]  }
0x15c: {  	_ =	sdelay $0x3  }
0x15d: {  	v0 =	vtrunc.f32 v0  }
0x15e: {  	v0 =	vcvt.f32.s32 v0;
	_ =	sdelay $0x1  }
0x15f: {  	s17 =	sadd.s32 $0x200, s17;
	v0 =	vadd.s32 s18, v0  }
0x160: {  	[tilespmem:s17+$0xFFFFFF00] =	vst v0  }
0x161: {  	v0 =	vld [tilespmem:s19+$0xFFFFFE20];
	_ =	sdelay $0x4  }
0x162: {  	v0 =	vtrunc.f32 v0  }
0x163: {  	v0 =	vcvt.f32.s32 v0;
	_ =	sdelay $0x1  }
0x164: {  	v0 =	vadd.s32 s18, v0  }
0x165: {  	[tilespmem:s17+$0xFFFFFF10] =	vst v0  }
0x166: {  	v0 =	vld [tilespmem:s19+$0xFFFFFE30];
	_ =	sdelay $0x4  }
0x167: {  	v0 =	vtrunc.f32 v0  }
0x168: {  	v0 =	vcvt.f32.s32 v0;
	_ =	sdelay $0x1  }
0x169: {  	v0 =	vadd.s32 s18, v0  }
0x16a: {  	[tilespmem:s17+$0xFFFFFF20] =	vst v0  }
0x16b: {  	v0 =	vld [tilespmem:s19+$0xFFFFFE40];
	_ =	sdelay $0x4  }
0x16c: {  	v0 =	vtrunc.f32 v0  }
0x16d: {  	v0 =	vcvt.f32.s32 v0;
	_ =	sdelay $0x1  }
0x16e: {  	v0 =	vadd.s32 s18, v0  }
0x16f: {  	[tilespmem:s17+$0xFFFFFF30] =	vst v0  }
0x170: {  	v0 =	vld [tilespmem:s19+$0xFFFFFE50];
	_ =	sdelay $0x4  }
0x171: {  	v0 =	vtrunc.f32 v0  }
0x172: {  	v0 =	vcvt.f32.s32 v0;
	_ =	sdelay $0x1  }
0x173: {  	v0 =	vadd.s32 s18, v0  }
0x174: {  	[tilespmem:s17+$0xFFFFFF40] =	vst v0  }
0x175: {  	v0 =	vld [tilespmem:s19+$0xFFFFFE60];
	_ =	sdelay $0x4  }
0x176: {  	v0 =	vtrunc.f32 v0  }
0x177: {  	v0 =	vcvt.f32.s32 v0;
	_ =	sdelay $0x1  }
0x178: {  	v0 =	vadd.s32 s18, v0  }
0x179: {  	[tilespmem:s17+$0xFFFFFF50] =	vst v0  }
0x17a: {  	v0 =	vld [tilespmem:s19+$0xFFFFFE70];
	_ =	sdelay $0x4  }
0x17b: {  	v0 =	vtrunc.f32 v0  }
0x17c: {  	v0 =	vcvt.f32.s32 v0;
	_ =	sdelay $0x1  }
0x17d: {  	v0 =	vadd.s32 s18, v0  }
0x17e: {  	[tilespmem:s17+$0xFFFFFF60] =	vst v0  }
0x17f: {  	v0 =	vld [tilespmem:s19+$0xFFFFFE80];
	_ =	sdelay $0x4  }
0x180: {  	v0 =	vtrunc.f32 v0  }
0x181: {  	v0 =	vcvt.f32.s32 v0;
	_ =	sdelay $0x1  }
0x182: {  	v0 =	vadd.s32 s18, v0  }
0x183: {  	[tilespmem:s17+$0xFFFFFF70] =	vst v0  }
0x184: {  	v0 =	vld [tilespmem:s19+$0xFFFFFE90];
	_ =	sdelay $0x4  }
0x185: {  	v0 =	vtrunc.f32 v0  }
0x186: {  	v0 =	vcvt.f32.s32 v0;
	_ =	sdelay $0x1  }
0x187: {  	v0 =	vadd.s32 s18, v0  }
0x188: {  	[tilespmem:s17+$0xFFFFFF80] =	vst v0  }
0x189: {  	v0 =	vld [tilespmem:s19+$0xFFFFFEA0];
	_ =	sdelay $0x4  }
0x18a: {  	v0 =	vtrunc.f32 v0  }
0x18b: {  	v0 =	vcvt.f32.s32 v0;
	_ =	sdelay $0x1  }
0x18c: {  	v0 =	vadd.s32 s18, v0  }
0x18d: {  	[tilespmem:s17+$0xFFFFFF90] =	vst v0  }
0x18e: {  	v0 =	vld [tilespmem:s19+$0xFFFFFEB0];
	_ =	sdelay $0x4  }
0x18f: {  	v0 =	vtrunc.f32 v0  }
0x190: {  	v0 =	vcvt.f32.s32 v0;
	_ =	sdelay $0x1  }
0x191: {  	v0 =	vadd.s32 s18, v0  }
0x192: {  	[tilespmem:s17+$0xFFFFFFA0] =	vst v0  }
0x193: {  	v0 =	vld [tilespmem:s19+$0xFFFFFEC0];
	_ =	sdelay $0x4  }
0x194: {  	v0 =	vtrunc.f32 v0  }
0x195: {  	v0 =	vcvt.f32.s32 v0;
	_ =	sdelay $0x1  }
0x196: {  	v0 =	vadd.s32 s18, v0  }
0x197: {  	[tilespmem:s17+$0xFFFFFFB0] =	vst v0  }
0x198: {  	v0 =	vld [tilespmem:s19+$0xFFFFFED0];
	_ =	sdelay $0x4  }
0x199: {  	v0 =	vtrunc.f32 v0  }
0x19a: {  	v0 =	vcvt.f32.s32 v0;
	_ =	sdelay $0x1  }
0x19b: {  	v0 =	vadd.s32 s18, v0  }
0x19c: {  	[tilespmem:s17+$0xFFFFFFC0] =	vst v0  }
0x19d: {  	v0 =	vld [tilespmem:s19+$0xFFFFFEE0];
	_ =	sdelay $0x4  }
0x19e: {  	v0 =	vtrunc.f32 v0  }
0x19f: {  	v0 =	vcvt.f32.s32 v0;
	_ =	sdelay $0x1  }
0x1a0: {  	v0 =	vadd.s32 s18, v0  }
0x1a1: {  	[tilespmem:s17+$0xFFFFFFD0] =	vst v0  }
0x1a2: {  	v0 =	vld [tilespmem:s19+$0xFFFFFEF0];
	_ =	sdelay $0x4  }
0x1a3: {  	v0 =	vtrunc.f32 v0  }
0x1a4: {  	v0 =	vcvt.f32.s32 v0;
	_ =	sdelay $0x1  }
0x1a5: {  	v0 =	vadd.s32 s18, v0  }
0x1a6: {  	[tilespmem:s17+$0xFFFFFFE0] =	vst v0  }
0x1a7: {  	v0 =	vld [tilespmem:s19+$0xFFFFFF00];
	_ =	sdelay $0x4  }
0x1a8: {  	v0 =	vtrunc.f32 v0  }
0x1a9: {  	v0 =	vcvt.f32.s32 v0;
	_ =	sdelay $0x1  }
0x1aa: {  	v0 =	vadd.s32 s18, v0  }
0x1ab: {  	[tilespmem:s17+$0xFFFFFFF0] =	vst v0  }
0x1ac: {  	v0 =	vld [tilespmem:s19+$0xFFFFFF10];
	_ =	sdelay $0x4  }
0x1ad: {  	v0 =	vtrunc.f32 v0  }
0x1ae: {  	v0 =	vcvt.f32.s32 v0;
	_ =	sdelay $0x1  }
0x1af: {  	v0 =	vadd.s32 s18, v0  }
0x1b0: {  	[tilespmem:s17+$0x0] =	vst v0  }
0x1b1: {  	v0 =	vld [tilespmem:s19+$0xFFFFFF20];
	_ =	sdelay $0x4  }
0x1b2: {  	v0 =	vtrunc.f32 v0  }
0x1b3: {  	v0 =	vcvt.f32.s32 v0;
	_ =	sdelay $0x1  }
0x1b4: {  	v0 =	vadd.s32 s18, v0  }
0x1b5: {  	[tilespmem:s17+$0x10] =	vst v0  }
0x1b6: {  	v0 =	vld [tilespmem:s19+$0xFFFFFF30];
	_ =	sdelay $0x4  }
0x1b7: {  	v0 =	vtrunc.f32 v0  }
0x1b8: {  	v0 =	vcvt.f32.s32 v0;
	_ =	sdelay $0x1  }
0x1b9: {  	v0 =	vadd.s32 s18, v0  }
0x1ba: {  	[tilespmem:s17+$0x20] =	vst v0  }
0x1bb: {  	v0 =	vld [tilespmem:s19+$0xFFFFFF40];
	_ =	sdelay $0x4  }
0x1bc: {  	v0 =	vtrunc.f32 v0  }
0x1bd: {  	v0 =	vcvt.f32.s32 v0;
	_ =	sdelay $0x1  }
0x1be: {  	v0 =	vadd.s32 s18, v0  }
0x1bf: {  	[tilespmem:s17+$0x30] =	vst v0  }
0x1c0: {  	v0 =	vld [tilespmem:s19+$0xFFFFFF50];
	_ =	sdelay $0x4  }
0x1c1: {  	v0 =	vtrunc.f32 v0  }
0x1c2: {  	v0 =	vcvt.f32.s32 v0;
	_ =	sdelay $0x1  }
0x1c3: {  	v0 =	vadd.s32 s18, v0  }
0x1c4: {  	[tilespmem:s17+$0x40] =	vst v0  }
0x1c5: {  	v0 =	vld [tilespmem:s19+$0xFFFFFF60];
	_ =	sdelay $0x4  }
0x1c6: {  	v0 =	vtrunc.f32 v0  }
0x1c7: {  	v0 =	vcvt.f32.s32 v0;
	_ =	sdelay $0x1  }
0x1c8: {  	v0 =	vadd.s32 s18, v0  }
0x1c9: {  	[tilespmem:s17+$0x50] =	vst v0  }
0x1ca: {  	v0 =	vld [tilespmem:s19+$0xFFFFFF70];
	_ =	sdelay $0x4  }
0x1cb: {  	v0 =	vtrunc.f32 v0  }
0x1cc: {  	v0 =	vcvt.f32.s32 v0;
	_ =	sdelay $0x1  }
0x1cd: {  	v0 =	vadd.s32 s18, v0  }
0x1ce: {  	[tilespmem:s17+$0x60] =	vst v0  }
0x1cf: {  	v0 =	vld [tilespmem:s19+$0xFFFFFF80];
	_ =	sdelay $0x4  }
0x1d0: {  	v0 =	vtrunc.f32 v0  }
0x1d1: {  	v0 =	vcvt.f32.s32 v0;
	_ =	sdelay $0x1  }
0x1d2: {  	v0 =	vadd.s32 s18, v0  }
0x1d3: {  	[tilespmem:s17+$0x70] =	vst v0  }
0x1d4: {  	v0 =	vld [tilespmem:s19+$0xFFFFFF90];
	_ =	sdelay $0x4  }
0x1d5: {  	v0 =	vtrunc.f32 v0  }
0x1d6: {  	v0 =	vcvt.f32.s32 v0;
	_ =	sdelay $0x1  }
0x1d7: {  	v0 =	vadd.s32 s18, v0  }
0x1d8: {  	[tilespmem:s17+$0x80] =	vst v0  }
0x1d9: {  	v0 =	vld [tilespmem:s19+$0xFFFFFFA0];
	_ =	sdelay $0x4  }
0x1da: {  	v0 =	vtrunc.f32 v0  }
0x1db: {  	v0 =	vcvt.f32.s32 v0;
	_ =	sdelay $0x1  }
0x1dc: {  	v0 =	vadd.s32 s18, v0  }
0x1dd: {  	[tilespmem:s17+$0x90] =	vst v0  }
0x1de: {  	v0 =	vld [tilespmem:s19+$0xFFFFFFB0];
	_ =	sdelay $0x4  }
0x1df: {  	v0 =	vtrunc.f32 v0  }
0x1e0: {  	v0 =	vcvt.f32.s32 v0;
	_ =	sdelay $0x1  }
0x1e1: {  	v0 =	vadd.s32 s18, v0  }
0x1e2: {  	[tilespmem:s17+$0xA0] =	vst v0  }
0x1e3: {  	v0 =	vld [tilespmem:s19+$0xFFFFFFC0];
	_ =	sdelay $0x4  }
0x1e4: {  	v0 =	vtrunc.f32 v0  }
0x1e5: {  	v0 =	vcvt.f32.s32 v0;
	_ =	sdelay $0x1  }
0x1e6: {  	v0 =	vadd.s32 s18, v0  }
0x1e7: {  	[tilespmem:s17+$0xB0] =	vst v0  }
0x1e8: {  	v0 =	vld [tilespmem:s19+$0xFFFFFFD0];
	_ =	sdelay $0x4  }
0x1e9: {  	v0 =	vtrunc.f32 v0  }
0x1ea: {  	v0 =	vcvt.f32.s32 v0;
	_ =	sdelay $0x1  }
0x1eb: {  	v0 =	vadd.s32 s18, v0  }
0x1ec: {  	[tilespmem:s17+$0xC0] =	vst v0  }
0x1ed: {  	v0 =	vld [tilespmem:s19+$0xFFFFFFE0];
	_ =	sdelay $0x4  }
0x1ee: {  	v0 =	vtrunc.f32 v0  }
0x1ef: {  	v0 =	vcvt.f32.s32 v0;
	_ =	sdelay $0x1  }
0x1f0: {  	v0 =	vadd.s32 s18, v0  }
0x1f1: {  	[tilespmem:s17+$0xD0] =	vst v0  }
0x1f2: {  	v0 =	vld [tilespmem:s19+$0xFFFFFFF0];
	_ =	sdelay $0x4  }
0x1f3: {  	v0 =	vtrunc.f32 v0  }
0x1f4: {  	v0 =	vcvt.f32.s32 v0;
	_ =	sdelay $0x1  }
0x1f5: {  	v0 =	vadd.s32 s18, v0  }
0x1f6: {  	[tilespmem:s17+$0xE0] =	vst v0  }
0x1f7: {  	v0 =	vld [tilespmem:s19+$0x0];
	_ =	sdelay $0x4  }
0x1f8: {  	v0 =	vtrunc.f32 v0  }
0x1f9: {  	v0 =	vcvt.f32.s32 v0;
	_ =	sdelay $0x1  }
0x1fa: {  	v0 =	vadd.s32 s18, v0  }
0x1fb: {  	s31 =	simm.s32 $0x0;
	[tilespmem:s17+$0xF0] =	vst v0  }
0x1fc: {  	[hbm4b:s6+s31] =	stream.linear.scatter [tilespmem:s14], [sflag:$0x1], $0x3400, $0x38;
	[tilespmem:$0x84E0] =	vst v63  }
0x1fd: {  	_ =	swait.ge [sflag:s11], $0x3400  }
0x1fe: {  	[sflag:s11] =	ssyncset.done $0x0  }
0x1ff: {  	[sflag:s11] =	ssyncadd.s32 $0xFFFFCC00  }
0x200: {  	s17 =	simm.s32 $0x0;
	v0 =	vld [tilespmem:$0x84D0]  }
0x201: {  	s18 =	simm.s32 $0x40;
	v1 =	vld [tilespmem:s17+$0x0]  }
.LBB2_4:
0x202: {  	p0 =	sne.s32 s18, $0x7C0;
	v2 =	vld [tilespmem:$0x8400]  }
0x203: {  	v3 =	vld [tilespmem:s17+$0x200]  }
0x204: {  	v4 =	vld [tilespmem:$0x8410]  }
0x205: {  	v5 =	vld [tilespmem:s17+$0x400]  }
0x206: {  	v6 =	vld [tilespmem:$0x8420]  }
0x207: {  	v1 =	vmul.f32 v2, v1;
	v2 =	vld [tilespmem:s17+$0x600]  }
0x208: {  	v7 =	vld [tilespmem:$0x8430]  }
0x209: {  	v1 =	vadd.f32 v1, v0;
	v3 =	vmul.f32 v4, v3;
	v4 =	vld [tilespmem:s17+$0x800]  }
0x20a: {  	v8 =	vld [tilespmem:$0x8440]  }
0x20b: {  	v1 =	vadd.f32 v3, v1;
	v3 =	vmul.f32 v6, v5;
	v5 =	vld [tilespmem:s17+$0xA00]  }
0x20c: {  	v6 =	vld [tilespmem:$0x8450]  }
0x20d: {  	v1 =	vadd.f32 v3, v1;
	v2 =	vmul.f32 v7, v2;
	v3 =	vld [tilespmem:s17+$0xC00]  }
0x20e: {  	v7 =	vld [tilespmem:$0x8460]  }
0x20f: {  	v1 =	vadd.f32 v2, v1;
	v2 =	vmul.f32 v8, v4;
	v4 =	vld [tilespmem:s17+$0xE00]  }
0x210: {  	v8 =	vld [tilespmem:$0x8470]  }
0x211: {  	v1 =	vadd.f32 v2, v1;
	v2 =	vmul.f32 v6, v5;
	v5 =	vld [tilespmem:s17+$0x1000]  }
0x212: {  	v6 =	vld [tilespmem:$0x8480]  }
0x213: {  	v1 =	vadd.f32 v2, v1;
	v2 =	vmul.f32 v7, v3;
	v3 =	vld [tilespmem:s17+$0x1200]  }
0x214: {  	v7 =	vld [tilespmem:$0x8490]  }
0x215: {  	v1 =	vadd.f32 v2, v1;
	v2 =	vmul.f32 v8, v4;
	v4 =	vld [tilespmem:s17+$0x1400]  }
0x216: {  	v8 =	vld [tilespmem:$0x84A0]  }
0x217: {  	v1 =	vadd.f32 v2, v1;
	v2 =	vmul.f32 v6, v5;
	v5 =	vld [tilespmem:s17+$0x1600]  }
0x218: {  	v6 =	vld [tilespmem:$0x84B0]  }
0x219: {  	v1 =	vadd.f32 v2, v1;
	v2 =	vmul.f32 v7, v3;
	v3 =	vld [tilespmem:s17+$0x1800]  }
0x21a: {  	v7 =	vld [tilespmem:$0x84C0]  }
0x21b: {  	v1 =	vadd.f32 v2, v1;
	v2 =	vmul.f32 v8, v4;
	_ =	sdelay $0x1  }
0x21c: {  	v1 =	vadd.f32 v2, v1;
	v2 =	vmul.f32 v6, v5;
	_ =	sdelay $0x1  }
.Ltmp1:
0x21d: {  	v1 =	vadd.f32 v2, v1;
	v2 =	vmul.f32 v7, v3;
	(pc) =	sbr.rel @p0 .LBB2_4-.Ltmp1, $4  }
0x21e: {  	_ = 	snop  }
0x21f: {  	v2 =	vadd.f32 v2, v1  }
0x220: {  	s19 =	sshra.s32 s18, $0x2  }
0x221: {  	s18 =	sadd.s32 $0x40, s18;
	v1 =	vld [tilespmem:s19+$0x0];
	[tilespmem:s17+$0x8200] =	vst v2;
	s17 =	smov.u32 s19  }
0x222: {  	v2 =	vld [tilespmem:$0x8400]  }
0x223: {  	v3 =	vld [tilespmem:s17+$0x200]  }
0x224: {  	v4 =	vld [tilespmem:$0x8410]  }
0x225: {  	v5 =	vld [tilespmem:s17+$0x400]  }
0x226: {  	v6 =	vld [tilespmem:$0x8420]  }
0x227: {  	v33 =	vld [tilespmem:s17+$0x600];
	v1 =	vmul.f32 v2, v1  }
0x228: {  	v7 =	vld [tilespmem:$0x8430]  }
0x229: {  	v35 =	vld [tilespmem:s17+$0x800];
	v34 =	vmul.f32 v4, v3;
	v0 =	vadd.f32 v1, v0  }
0x22a: {  	v36 =	vld [tilespmem:$0x8440]  }
0x22b: {  	v38 =	vld [tilespmem:s17+$0xA00];
	v37 =	vmul.f32 v6, v5;
	v0 =	vadd.f32 v34, v0  }
0x22c: {  	v39 =	vld [tilespmem:$0x8450]  }
0x22d: {  	v41 =	vld [tilespmem:s17+$0xC00];
	v40 =	vmul.f32 v7, v33;
	v0 =	vadd.f32 v37, v0  }
0x22e: {  	v42 =	vld [tilespmem:$0x8460]  }
0x22f: {  	v44 =	vld [tilespmem:s17+$0xE00];
	v43 =	vmul.f32 v36, v35;
	v0 =	vadd.f32 v40, v0  }
0x230: {  	v45 =	vld [tilespmem:$0x8470]  }
0x231: {  	v47 =	vld [tilespmem:s17+$0x1000];
	v46 =	vmul.f32 v39, v38;
	v0 =	vadd.f32 v43, v0  }
0x232: {  	v48 =	vld [tilespmem:$0x8480]  }
0x233: {  	v50 =	vld [tilespmem:s17+$0x1200];
	v49 =	vmul.f32 v42, v41;
	v0 =	vadd.f32 v46, v0  }
0x234: {  	v51 =	vld [tilespmem:$0x8490]  }
0x235: {  	v53 =	vld [tilespmem:s17+$0x1400];
	v52 =	vmul.f32 v45, v44;
	v0 =	vadd.f32 v49, v0  }
0x236: {  	v54 =	vld [tilespmem:$0x84A0]  }
0x237: {  	v56 =	vld [tilespmem:s17+$0x1600];
	v55 =	vmul.f32 v48, v47;
	v0 =	vadd.f32 v52, v0  }
0x238: {  	v57 =	vld [tilespmem:$0x84B0]  }
0x239: {  	v59 =	vld [tilespmem:s17+$0x1800];
	v58 =	vmul.f32 v51, v50;
	v0 =	vadd.f32 v55, v0  }
0x23a: {  	v60 =	vld [tilespmem:$0x84C0]  }
0x23b: {  	v61 =	vmul.f32 v54, v53;
	v0 =	vadd.f32 v58, v0;
	_ =	sdelay $0x1  }
0x23c: {  	v62 =	vmul.f32 v57, v56;
	v0 =	vadd.f32 v61, v0;
	_ =	sdelay $0x1  }
0x23d: {  	v63 =	vmul.f32 v60, v59;
	v0 =	vadd.f32 v62, v0;
	_ =	sdelay $0x1  }
0x23e: {  	s16 =	sadd.s32 $0x1, s16;
	v0 =	vadd.f32 v63, v0  }
0x23f: {  	p0 =	sne.s32 s16, s8  }
.Ltmp2:
0x240: {  	[tilespmem:s17+$0x8200] =	vst v0;
	(pc) =	sbr.rel @p0 .LBB2_1-.Ltmp2, $4  }
0x241: {  	[hbm4b:s7+s3] =	stream.linear.scatter [tilespmem:s15], [sflag:$0x1], $0x200, $0x38;
	[tilespmem:$0x84E0] =	vst v63  }
0x242: {  	_ =	swait.ge [sflag:s11], $0x200  }
0x243: {  	[sflag:s11] =	ssyncset.done $0x0  }
0x244: {  	[sflag:s11] =	ssyncadd.s32 $0xFFFFFE00  }
0x245: {  	_ =	sfence.sel $0x180000  }
0x246: {  	[bflag:$0x0] =	sbarrier.arrive $0xFFFF  }
0x247: {  	p0 =	sne.s32 s1, $0x0;
	_ =	strace $0x90000047  }
0x248: {  	s0 =	sadd.s32 @!p0 $0x100000, s0;
	[bflag:$0x2] =	sbarrier.arrive $0xFFFF  }
0x249: {  	[sflag:s0] =	ssyncadd.tile.s32 @!p0 $0x1;
	_ =	shalt  }
.Lfunc_end2:
_tile_overlayer_lowered:
.L_overlay_start_2:
0x24a: {  	(tag) =	ssettag $0x2  }
0x24b: {  	s0 =	rddreg [dreg:$0x0];
	s2 =	stileid.u32  }
0x24c: {  	s1 =	rddreg [dreg:$0x1];
	p0 =	sne.s32 s2, $0x0  }
0x24d: {  	s3 =	rddreg [dreg:$0x2];
	[bflag:$0x3] =	sbarrier.arrive $0xFFFF;
	s2 =	simm.s32 @!p0 $0x1C01  }
0x24e: {  	[timem:s3], [sflag:s2] =	dma.local @!p0 [hbm:s0], s1  }
0x24f: {  	s0 =	simm.s32 @!p0 $0x1  }
0x250: {  	_ =	swait.ge @!p0 [sflag:s0], s1  }
0x251: {  	s1 =	ssub.s32 @!p0 $0x0, s1;
	[sflag:s0] =	ssyncset.done @!p0 $0x0  }
0x252: {  	[sflag:s0] =	ssyncadd.s32 @!p0 s1  }
0x253: {  	[bflag:$0x3] =	sbarrier.arrive $0xFFFF  }
0x254: {  	_ =	shalt  }

// kernel: kernel.8.cloned.1.call-start
scs
__scs_entry_jumppad:
0x0: {  	(pc) =	sbr.rel $0x88, $3  }
0x1: {  	(tag) =	ssettag $0x0;
	lr =	simm.s32 $0x1  }
0x2: {  	[smem:$0x3F9D] =	sst lr;
	_ =	strace $0xD0000000  }
0x3: {  	_ = 	snop  }
0x4: {  	_ = 	snop  }
0x5: {  	_ = 	snop  }
0x6: {  	_ = 	snop  }
0x7: {  	_ = 	snop  }
__scs_overlays_trampoline_lowered:
0x8: {  	[smem:$0x3FAC] =	sst s0  }
0x9: {  	[smem:$0x3FAD] =	sst s1  }
0xa: {  	[smem:$0x3FAE] =	sst s2  }
0xb: {  	[smem:$0x3FAF] =	sst s3  }
0xc: {  	[smem:$0x3FB0] =	sst s4  }
0xd: {  	[smem:$0x3FB1] =	sst s5  }
0xe: {  	[smem:$0x3FB2] =	sst s6  }
0xf: {  	[smem:$0x3FB3] =	sst s7  }
0x10: {  	[smem:$0x3FB4] =	sst s8  }
0x11: {  	[smem:$0x3FB5] =	sst s9;
	s0 =	simm.s32 @!p0 $0x0  }
0x12: {  	s1 =	sld [smem:$0x3F9B];
	s0 =	simm.s32 @p0 $0x1  }
0x13: {  	[smem:$0x3FB6] =	sst s0;
	s0 =	simm.s32 @!p1 $0x0  }
0x14: {  	s2 =	sld [smem:$0x3F9A];
	s0 =	simm.s32 @p1 $0x1  }
0x15: {  	[smem:$0x3FB7] =	sst s0;
	s0 =	simm.s32 @!p2 $0x0  }
0x16: {  	s3 =	sld [smem:$0x3FDB];
	s0 =	simm.s32 @p2 $0x1  }
0x17: {  	s4 =	simm.s32 $0x1BF5;
	[smem:$0x3FB9] =	sst s0  }
0x18: {  	s0 =	sld [smem:$0x3F9C];
	_ =	swait.ge [sflag:s4], $0x0  }
0x19: {  	s7 =	sld [smem:$0x3F9D]  }
0x1a: {  	s8 =	sadd.s32 $0xFFFFE003, lr  }
0x1b: {  	s9 =	sadd.s32 $0xFFFFFEF7, lr;
	s5 =	simm.s32 $0xFFFFFFFF;
	p2 =	slt.u32 s8, $0xFFFFF086  }
0x1c: {  	p1 =	slt.u32 s9, $0xF7A;
	s5 =	simm.s32 @!p2 $0x0  }
0x1d: {  	s5 =	simm.s32 @p1 $0x1;
	p0 =	seq.s32 s7, s2  }
0x1e: {  	s7 =	smul.u32 @!p0 $0xF7A, s2;
	p2 =	seq.s32 @!p0 s5, $0x0  }
0x1f: {  	s9 =	smul.u32 $0xF7A, s1;
	s8 =	simm.s32 @!p0 $0x1BF5;
	p2 =	por !p2, p0  }
0x20: {  	[sflag:s8] =	ssyncset.s32 @!p0 $0xFFFFF086;
	s6 =	sadd.s32 @!p0 s3, s7;
	s7 =	simm.s32 @!p0 $0x108  }
0x21: {  	s3 =	sadd.s32 s3, s9;
	s6 =	sadd.s32 @!p0 $0x88, s6;
	s7 =	simm.s32 @p2 $0x1082  }
0x22: {  	[simem:s7], [sflag:s8] =	dma.local @!p0 [hbm:s6], $0xF7A  }
0x23: {  	s9 =	sor.u32 $0xD0000000, s2;
	s6 =	simm.s32 $0x108;
	_ =	swait.ge @!p0 [sflag:s8], $0x0  }
0x24: {  	s3 =	sadd.s32 $0x88, s3;
	s6 =	simm.s32 @!p1 $0x1082;
	[sflag:s4] =	ssyncset.s32 $0xFFFFF086  }
0x25: {  	[simem:s6], [sflag:s4] =	dma.local [hbm:s3], $0xF7A  }
0x26: {  	[smem:$0x3F9D] =	sst s1;
	(tag) =	ssettag s2;
	_ =	strace s9  }
0x27: {  	s1 =	sld [smem:$0x3FAD]  }
0x28: {  	s2 =	sld [smem:$0x3FAE]  }
0x29: {  	s4 =	sld [smem:$0x3FB0]  }
0x2a: {  	p0 =	seq.s32 s5, $0x0;
	s5 =	sld [smem:$0x3FB1]  }
0x2b: {  	s6 =	sld [smem:$0x3FB2]  }
0x2c: {  	s7 =	sld [smem:$0x3FB3]  }
0x2d: {  	s3 =	simm.s32 $0x108;
	s8 =	sld [smem:$0x3FB4]  }
0x2e: {  	s3 =	simm.s32 @!p0 $0x1082;
	s9 =	sld [smem:$0x3FB5]  }
0x2f: {  	lr =	sadd.s32 s0, s3;
	s0 =	sld [smem:$0x3FAC]  }
0x30: {  	s3 =	sld [smem:$0x3FAF]  }
0x31: {  	[smem:$0x3FB8] =	sst s10  }
0x32: {  	s10 =	sld [smem:$0x3FB6];
	_ =	sdelay $0x3  }
0x33: {  	p0 =	seq.s32 s10, $0x1;
	s10 =	sld [smem:$0x3FB8];
	_ =	sdelay $0x3  }
0x34: {  	[smem:$0x3FB8] =	sst s10  }
0x35: {  	s10 =	sld [smem:$0x3FB7];
	_ =	sdelay $0x3  }
0x36: {  	p1 =	seq.s32 s10, $0x1;
	s10 =	sld [smem:$0x3FB8];
	_ =	sdelay $0x3  }
0x37: {  	[smem:$0x3FB8] =	sst s10  }
0x38: {  	s10 =	sld [smem:$0x3FB9]  }
0x39: {  	_ = 	snop;
	(pc) =	sbr.ind lr, $3  }
0x3a: {  	_ = 	snop  }
0x3b: {  	_ = 	snop  }
0x3c: {  	p2 =	seq.s32 s10, $0x1;
	s10 =	sld [smem:$0x3FB8]  }
0x3d: {  	_ =	shalt  }
0x3e: {  	_ =	shalt  }
0x3f: {  	_ =	shalt  }
0x40: {  	_ =	shalt  }
0x41: {  	_ =	shalt  }
0x42: {  	_ =	shalt  }
0x43: {  	_ =	shalt  }
0x44: {  	_ =	shalt  }
0x45: {  	_ =	shalt  }
0x46: {  	_ =	shalt  }
0x47: {  	_ =	shalt  }
0x48: {  	_ =	shalt  }
0x49: {  	_ =	shalt  }
0x4a: {  	_ =	shalt  }
0x4b: {  	_ =	shalt  }
0x4c: {  	_ =	shalt  }
0x4d: {  	_ =	shalt  }
0x4e: {  	_ =	shalt  }
0x4f: {  	_ =	shalt  }
0x50: {  	_ =	shalt  }
0x51: {  	_ =	shalt  }
0x52: {  	_ =	shalt  }
0x53: {  	_ =	shalt  }
0x54: {  	_ =	shalt  }
0x55: {  	_ =	shalt  }
0x56: {  	_ =	shalt  }
0x57: {  	_ =	shalt  }
0x58: {  	_ =	shalt  }
0x59: {  	_ =	shalt  }
0x5a: {  	_ =	shalt  }
0x5b: {  	_ =	shalt  }
0x5c: {  	_ =	shalt  }
0x5d: {  	_ =	shalt  }
0x5e: {  	_ =	shalt  }
0x5f: {  	_ =	shalt  }
0x60: {  	_ =	shalt  }
0x61: {  	_ =	shalt  }
0x62: {  	_ =	shalt  }
0x63: {  	_ =	shalt  }
0x64: {  	_ =	shalt  }
0x65: {  	_ =	shalt  }
0x66: {  	_ =	shalt  }
0x67: {  	_ =	shalt  }
0x68: {  	_ =	shalt  }
0x69: {  	_ =	shalt  }
0x6a: {  	_ =	shalt  }
0x6b: {  	_ =	shalt  }
0x6c: {  	_ =	shalt  }
0x6d: {  	_ =	shalt  }
0x6e: {  	_ =	shalt  }
0x6f: {  	_ =	shalt  }
0x70: {  	_ =	shalt  }
0x71: {  	_ =	shalt  }
0x72: {  	_ =	shalt  }
0x73: {  	_ =	shalt  }
0x74: {  	_ =	shalt  }
0x75: {  	_ =	shalt  }
0x76: {  	_ =	shalt  }
0x77: {  	_ =	shalt  }
0x78: {  	_ =	shalt  }
0x79: {  	_ =	shalt  }
0x7a: {  	_ =	shalt  }
0x7b: {  	_ =	shalt  }
0x7c: {  	_ =	shalt  }
0x7d: {  	_ =	shalt  }
0x7e: {  	_ =	shalt  }
0x7f: {  	_ =	shalt  }
0x80: {  	_ =	shalt  }
0x81: {  	_ =	shalt  }
0x82: {  	_ =	shalt  }
0x83: {  	_ =	shalt  }
0x84: {  	_ =	shalt  }
0x85: {  	_ =	shalt  }
0x86: {  	_ =	shalt  }
0x87: {  	_ =	shalt  }
.Lfunc_end0:
.L_simem_size_0:
called_computation.1_lowered:
.L_overlay_start_0:
0x88: {  	s2 =	sld [smem:$0x3FD9]  }
0x89: {  	s3 =	sld [smem:$0x3FFE];
	_ =	sdelay $0x1  }
0x8a: {  	s1 =	srdreg.scid  }
0x8b: {  	s0 =	sand.u32 $0x1, s1  }
0x8c: {  	s17 =	sshll.u32 s0, $0xA;
	s2 =	sadd.s32 s3, s2  }
0x8d: {  	s2 =	sadd.s32 s2, s17  }
0x8e: {  	[smem:$0x3FC4] =	sst s2  }
0x8f: {  	_ = 	snop  }
0x90: {  	s2 =	sld [smem:$0x3FD0];
	(tm) =	ssettm $0x1  }
0x91: {  	s18 =	sld [smem:$0x3FFB];
	_ =	sdelay $0x3  }
0x92: {  	_ =	strace s18  }
0x93: {  	s3 =	sld [smem:$0x3FFC];
	_ =	sdelay $0x3  }
0x94: {  	_ =	strace s3  }
0x95: {  	s3 =	sld [smem:$0x3FFD];
	_ =	sdelay $0x3  }
0x96: {  	_ =	strace s3  }
0x97: {  	_ =	strace $0x8FFFFFFF  }
0x98: {  	s19 =	sld [smem:$0x3FDB];
	_ =	sdelay $0x1  }
0x99: {  	s4 =	simm.s32 $_scs_section_size  }
0x9a: {  	s5 =	simm.s32 $_size__tile_overlayer_lowered;
	s6 =	simm.s32 $_tile_overlayer_lowered  }
0x9b: {  	s22 =	simm.s32 $0x1BFF;
	s21 =	sshll.u32 s6, $0x1;
	s3 =	sadd.s32 s4, s19  }
0x9c: {  	s7 =	simm.s32 $0x0;
	s20 =	sshll.u32 s5, $0x1;
	s5 =	sadd.s32 s21, s3  }
0x9d: {  	[timem:s7], [sflag:s22] =	dma.local [hbm:s5], s20  }
0x9e: {  	_ =	swait.ge [sflag:s22], s20  }
0x9f: {  	s4 =	ssub.s32 $0x0, s20;
	[sflag:s22] =	ssyncset.done $0x0  }
0xa0: {  	[sflag:s22] =	ssyncadd.s32 s4;
	_ =	sdelay $0x1  }
0xa1: {  	s23 =	simm.s32 $0x1B8B  }
0xa2: {  	_ =	swait.ge [sflag:s23], $0x1  }
0xa3: {  	[sflag:s23] =	ssyncset.done $0x0  }
0xa4: {  	s25 =	simm.s32 $0x1B8E;
	s24 =	sld [smem:$0x3FFE];
	[sflag:s23] =	ssyncadd.s32 $0xFFFFFFFF  }
0xa5: {  	s26 =	simm.s32 $execute0_lowered;
	[smem:$0x3FD2] =	sst s25  }
0xa6: {  	s5 =	sshll.u32 s26, $0x1;
	_ =	strace $0x80000049;
	[dreg:$0x1] =	wrdreg $0xFFFFFFFF  }
0xa7: {  	s28 =	simm.s32 $_size_execute0_lowered;
	s3 =	sadd.s32 s3, s5;
	[dreg:$0x0] =	wrdreg $0x0  }
0xa8: {  	s5 =	sshll.u32 s28, $0x1;
	[dreg:$0x2] =	wrdreg s3  }
0xa9: {  	[dreg:$0x3] =	wrdreg s5  }
0xaa: {  	[dreg:$0x4] =	wrdreg $0xC0  }
0xab: {  	_ =	task [dreg:s7], $0x5FFFF  }
0xac: {  	[dreg:$0x1] =	wrdreg $0xFFFFFFFF  }
0xad: {  	[dreg:$0x0] =	wrdreg $0x60  }
0xae: {  	[dreg:$0x2] =	wrdreg s24  }
0xaf: {  	[dreg:$0x3] =	wrdreg s2  }
0xb0: {  	[dreg:$0x4] =	wrdreg $0x9  }
0xb1: {  	_ =	task.clear_ibuf [dreg:s7], $0x5FFFF;
	_ =	strace $0x90000049  }
0xb2: {  	s29 =	simm.s32 $0x9;
	_ =	strace $0x8000004B  }
0xb3: {  	_ =	swait.ge [sflag:s29], $0x1  }
0xb4: {  	[sflag:s29] =	ssyncadd.s32 $0xFFFFFFFF  }
0xb5: {  	_ =	strace $0x9000004B  }
0xb6: {  	_ =	sfence  }
0xb7: {  	s30 =	sld [smem:$0x0];
	_ =	sdelay $0x2  }
0xb8: {  	s31 =	sshll.u32 s1, $0xD;
	s1 =	sshrl.u32 s1, $0x2  }
0xb9: {  	s3 =	sand.u32 $0x4000, s31;
	s1 =	sadd.s32 s1, s30  }
0xba: {  	s0 =	sor.u32 s3, s0;
	s1 =	sshll.u32 s1, $0x11  }
0xbb: {  	s0 =	sor.u32 s1, s0  }
0xbc: {  	s0 =	sadd.s32 $0x8F2B, s0  }
0xbd: {  	[sflag:s0] =	ssyncadd.remote.s32 $0x1  }
0xbe: {  	_ =	sfence.sel $0xFFFF  }
0xbf: {  	[dreg:$0x0] =	wrdreg $0xFFFFFFFF;
	(pc) =	sbr.abs _section_cstart, $3  }
0xc0: {  	[dreg:$0x1] =	wrdreg $0xFFFFFFFF  }
0xc1: {  	_ =	task.clear_ibuf [dreg:s7], $0x2FFFF;
	_ =	strace $0x9FFFFFFF  }
0xc2: {  	(tm) =	ssettm $0x7FFFFFFF  }
0xc3: {  	_ =	shalt  }
tec
execute0_lowered:
.L_overlay_start_1:
0x0: {  	(tag) =	ssettag $0x1  }
0x1: {  	s4 =	rddreg [dreg:$0x0];
	s1 =	srdreg.scid  }
0x2: {  	s0 =	stileid.u32;
	s6 =	rddreg [dreg:$0x1]  }
0x3: {  	s2 =	simm.s32 $0x0;
	s11 =	simm.s32 $0x1;
	s12 =	simm.s32 $0x0  }
0x4: {  	s3 =	sand.u32 $0x1, s1;
	s5 =	sshll.u32 s0, $0x1;
	[smem:$0x7FF] =	sst s2  }
0x5: {  	s1 =	rddreg [dreg:$0x2];
	s5 =	sor.u32 s3, s5;
	_ =	strace $0x8000004A  }
0x6: {  	s8 =	ssub.s32 $0x2, s3;
	s3 =	sadd.s32 $0x22200, s4;
	s9 =	sshll.u32 s5, $0x6  }
0x7: {  	s7 =	smul.u32 $0x680, s5;
	s31 =	sshrl.u32 s8, $0x1;
	s10 =	sadd.s32 s9, s4  }
0x8: {  	s8 =	ssub.s32 s8, s31;
	s6 =	sadd.s32 s6, s9;
	s9 =	simm.s32 $0x80  }
0x9: {  	s7 =	sadd.s32 s7, s4;
	s5 =	sadd.s32 $0x21A00, s10;
	s10 =	simm.s32 $0x6800  }
0xa: {  	s4 =	sadd.s32 $0x14A00, s7;
	s7 =	smax.u32 s8, $0x1;
	s8 =	simm.s32 $0x2  }
.LBB2_1:
0xb: {  	[tilespmem:s2], [sflag:$0x2] =	stream.linear.gather [hbm4b:s4+s2], $0x3400, $0x38;
	[tilespmem:$0x6A00] =	vst v63  }
0xc: {  	_ =	swait.ge [sflag:s8], $0x3400  }
0xd: {  	s13 =	simm.s32 $0x200;
	[sflag:s8] =	ssyncset.done $0x0  }
0xe: {  	s14 =	simm.s32 $0x0;
	s15 =	simm.s32 $0x3400;
	[sflag:s8] =	ssyncadd.s32 $0xFFFFCC00  }
.LBB2_2:
0xf: {  	[tilespmem:s15], [sflag:$0x1] =	stream.indirect.gather [hbm4b:s3+s9], $0x1, s14, s9, $0xb8;
	[tilespmem:$0x6A00] =	vst v63  }
0x10: {  	s14 =	smov.u32 s13;
	p0 =	sne.s32 s13, $0xCE00  }
.Ltmp0:
0x11: {  	s13 =	sadd.s32 $0x200, s13;
	(pc) =	sbr.rel @p0 .LBB2_2-.Ltmp0, $3  }
0x12: {  	_ =	sdelay $0x1  }
0x13: {  	s14 =	sshra.s32 s14, $0x2  }
0x14: {  	s15 =	sadd.s32 $0x3400, s14  }
0x15: {  	[tilespmem:s15], [sflag:$0x1] =	stream.indirect.gather [hbm4b:s3+s9], $0x1, s14, s9, $0xb8;
	[tilespmem:$0x6A00] =	vst v63  }
0x16: {  	s13 =	simm.s32 $0x0  }
0x17: {  	[tilespmem:s10], [sflag:$0x2] =	stream.linear.gather [hbm4b:s5+s13], $0x200, $0x38;
	[tilespmem:$0x6A00] =	vst v63  }
0x18: {  	_ =	swait.ge [sflag:s8], $0x200  }
0x19: {  	[sflag:s8] =	ssyncset.done $0x0  }
0x1a: {  	[sflag:s8] =	ssyncadd.s32 $0xFFFFFE00  }
0x1b: {  	_ =	swait.ge [sflag:s11], $0x3400  }
0x1c: {  	[sflag:s11] =	ssyncset.done $0x0  }
0x1d: {  	s13 =	simm.s32 $0x0;
	[sflag:s11] =	ssyncadd.s32 $0xFFFFCC00  }
0x1e: {  	s14 =	simm.s32 $0x40;
	v0 =	vld [tilespmem:s13+$0x3400]  }
.LBB2_4:
0x1f: {  	p0 =	sne.s32 s14, $0x7C0;
	v1 =	vld [tilespmem:s13+$0x6800];
	_ =	sdelay $0x1  }
0x20: {  	v2 =	vld [tilespmem:s13+$0x3600];
	_ =	sdelay $0x1  }
0x21: {  	v3 =	vld [tilespmem:s13+$0x3800]  }
0x22: {  	v0 =	vadd.f32 v0, v1  }
0x23: {  	v1 =	vld [tilespmem:s13+$0x3A00]  }
0x24: {  	v0 =	vadd.f32 v2, v0  }
0x25: {  	v2 =	vld [tilespmem:s13+$0x3C00]  }
0x26: {  	v0 =	vadd.f32 v3, v0  }
0x27: {  	v3 =	vld [tilespmem:s13+$0x3E00]  }
0x28: {  	v0 =	vadd.f32 v1, v0  }
0x29: {  	v1 =	vld [tilespmem:s13+$0x4000]  }
0x2a: {  	v0 =	vadd.f32 v2, v0  }
0x2b: {  	v2 =	vld [tilespmem:s13+$0x4200]  }
0x2c: {  	v0 =	vadd.f32 v3, v0  }
0x2d: {  	v3 =	vld [tilespmem:s13+$0x4400]  }
0x2e: {  	v0 =	vadd.f32 v1, v0  }
0x2f: {  	v1 =	vld [tilespmem:s13+$0x4600]  }
0x30: {  	v0 =	vadd.f32 v2, v0  }
0x31: {  	v2 =	vld [tilespmem:s13+$0x4800]  }
0x32: {  	v0 =	vadd.f32 v3, v0  }
0x33: {  	v3 =	vld [tilespmem:s13+$0x4A00]  }
0x34: {  	v0 =	vadd.f32 v1, v0  }
0x35: {  	v1 =	vld [tilespmem:s13+$0x4C00]  }
0x36: {  	v0 =	vadd.f32 v2, v0  }
0x37: {  	v2 =	vld [tilespmem:s13+$0x4E00]  }
0x38: {  	v0 =	vadd.f32 v3, v0  }
0x39: {  	v3 =	vld [tilespmem:s13+$0x5000]  }
0x3a: {  	v0 =	vadd.f32 v1, v0  }
0x3b: {  	v1 =	vld [tilespmem:s13+$0x5200]  }
0x3c: {  	v0 =	vadd.f32 v2, v0  }
0x3d: {  	v2 =	vld [tilespmem:s13+$0x5400]  }
0x3e: {  	v0 =	vadd.f32 v3, v0  }
0x3f: {  	v3 =	vld [tilespmem:s13+$0x5600]  }
0x40: {  	v0 =	vadd.f32 v1, v0  }
0x41: {  	v1 =	vld [tilespmem:s13+$0x5800]  }
0x42: {  	v0 =	vadd.f32 v2, v0  }
0x43: {  	v2 =	vld [tilespmem:s13+$0x5A00]  }
0x44: {  	v0 =	vadd.f32 v3, v0  }
0x45: {  	v3 =	vld [tilespmem:s13+$0x5C00]  }
0x46: {  	v0 =	vadd.f32 v1, v0  }
0x47: {  	v1 =	vld [tilespmem:s13+$0x5E00]  }
0x48: {  	v0 =	vadd.f32 v2, v0  }
0x49: {  	v2 =	vld [tilespmem:s13+$0x6000]  }
0x4a: {  	v0 =	vadd.f32 v3, v0  }
0x4b: {  	v3 =	vld [tilespmem:s13+$0x6200]  }
0x4c: {  	v0 =	vadd.f32 v1, v0  }
0x4d: {  	v1 =	vld [tilespmem:s13+$0x6400]  }
0x4e: {  	v0 =	vadd.f32 v2, v0  }
0x4f: {  	v2 =	vld [tilespmem:s13+$0x6600]  }
0x50: {  	v0 =	vadd.f32 v3, v0;
	_ =	sdelay $0x1  }
.Ltmp1:
0x51: {  	v0 =	vadd.f32 v1, v0;
	(pc) =	sbr.rel @p0 .LBB2_4-.Ltmp1, $4  }
0x52: {  	_ = 	snop  }
0x53: {  	v1 =	vadd.f32 v2, v0  }
0x54: {  	s15 =	sshra.s32 s14, $0x2  }
0x55: {  	s14 =	sadd.s32 $0x40, s14;
	v0 =	vld [tilespmem:s15+$0x3400];
	[tilespmem:s13+$0x6800] =	vst v1;
	s13 =	smov.u32 s15  }
0x56: {  	v1 =	vld [tilespmem:s13+$0x6800];
	_ =	sdelay $0x1  }
0x57: {  	v2 =	vld [tilespmem:s13+$0x3600];
	_ =	sdelay $0x1  }
0x58: {  	v3 =	vld [tilespmem:s13+$0x3800]  }
0x59: {  	v0 =	vadd.f32 v0, v1  }
0x5a: {  	v41 =	vld [tilespmem:s13+$0x3A00]  }
0x5b: {  	v0 =	vadd.f32 v2, v0  }
0x5c: {  	v42 =	vld [tilespmem:s13+$0x3C00]  }
0x5d: {  	v0 =	vadd.f32 v3, v0  }
0x5e: {  	v43 =	vld [tilespmem:s13+$0x3E00]  }
0x5f: {  	v0 =	vadd.f32 v41, v0  }
0x60: {  	v44 =	vld [tilespmem:s13+$0x4000]  }
0x61: {  	v0 =	vadd.f32 v42, v0  }
0x62: {  	v45 =	vld [tilespmem:s13+$0x4200]  }
0x63: {  	v0 =	vadd.f32 v43, v0  }
0x64: {  	v46 =	vld [tilespmem:s13+$0x4400]  }
0x65: {  	v0 =	vadd.f32 v44, v0  }
0x66: {  	v47 =	vld [tilespmem:s13+$0x4600]  }
0x67: {  	v0 =	vadd.f32 v45, v0  }
0x68: {  	v48 =	vld [tilespmem:s13+$0x4800]  }
0x69: {  	v0 =	vadd.f32 v46, v0  }
0x6a: {  	v49 =	vld [tilespmem:s13+$0x4A00]  }
0x6b: {  	v0 =	vadd.f32 v47, v0  }
0x6c: {  	v50 =	vld [tilespmem:s13+$0x4C00]  }
0x6d: {  	v0 =	vadd.f32 v48, v0  }
0x6e: {  	v51 =	vld [tilespmem:s13+$0x4E00]  }
0x6f: {  	v0 =	vadd.f32 v49, v0  }
0x70: {  	v52 =	vld [tilespmem:s13+$0x5000]  }
0x71: {  	v0 =	vadd.f32 v50, v0  }
0x72: {  	v53 =	vld [tilespmem:s13+$0x5200]  }
0x73: {  	v0 =	vadd.f32 v51, v0  }
0x74: {  	v54 =	vld [tilespmem:s13+$0x5400]  }
0x75: {  	v0 =	vadd.f32 v52, v0  }
0x76: {  	v55 =	vld [tilespmem:s13+$0x5600]  }
0x77: {  	v0 =	vadd.f32 v53, v0  }
0x78: {  	v56 =	vld [tilespmem:s13+$0x5800]  }
0x79: {  	v0 =	vadd.f32 v54, v0  }
0x7a: {  	v57 =	vld [tilespmem:s13+$0x5A00]  }
0x7b: {  	v0 =	vadd.f32 v55, v0  }
0x7c: {  	v58 =	vld [tilespmem:s13+$0x5C00]  }
0x7d: {  	v0 =	vadd.f32 v56, v0  }
0x7e: {  	v59 =	vld [tilespmem:s13+$0x5E00]  }
0x7f: {  	v0 =	vadd.f32 v57, v0  }
0x80: {  	v60 =	vld [tilespmem:s13+$0x6000]  }
0x81: {  	v0 =	vadd.f32 v58, v0  }
0x82: {  	v61 =	vld [tilespmem:s13+$0x6200]  }
0x83: {  	v0 =	vadd.f32 v59, v0  }
0x84: {  	v62 =	vld [tilespmem:s13+$0x6400]  }
0x85: {  	v0 =	vadd.f32 v60, v0  }
0x86: {  	v63 =	vld [tilespmem:s13+$0x6600]  }
0x87: {  	v0 =	vadd.f32 v61, v0;
	_ =	sdelay $0x1  }
0x88: {  	v0 =	vadd.f32 v62, v0;
	_ =	sdelay $0x1  }
0x89: {  	s12 =	sadd.s32 $0x1, s12;
	v0 =	vadd.f32 v63, v0  }
0x8a: {  	p0 =	sne.s32 s12, s7  }
.Ltmp2:
0x8b: {  	[tilespmem:s13+$0x6800] =	vst v0;
	(pc) =	sbr.rel @p0 .LBB2_1-.Ltmp2, $4  }
0x8c: {  	[hbm4b:s6+s2] =	stream.linear.scatter [tilespmem:s10], [sflag:$0x2], $0x200, $0x38;
	[tilespmem:$0x6A00] =	vst v63  }
0x8d: {  	_ =	swait.ge [sflag:s8], $0x200  }
0x8e: {  	[sflag:s8] =	ssyncset.done $0x0  }
0x8f: {  	[sflag:s8] =	ssyncadd.s32 $0xFFFFFE00  }
0x90: {  	_ =	sfence.sel $0x180000  }
0x91: {  	[bflag:$0x0] =	sbarrier.arrive $0xFFFF  }
0x92: {  	p0 =	sne.s32 s0, $0x0;
	_ =	strace $0x9000004A  }
0x93: {  	s0 =	sadd.s32 @!p0 $0x100000, s1;
	[bflag:$0x2] =	sbarrier.arrive $0xFFFF  }
0x94: {  	[sflag:s0] =	ssyncadd.tile.s32 @!p0 $0x1;
	_ =	shalt  }
.Lfunc_end2:
_tile_overlayer_lowered:
.L_overlay_start_2:
0x95: {  	(tag) =	ssettag $0x2  }
0x96: {  	s0 =	rddreg [dreg:$0x0];
	s2 =	stileid.u32  }
0x97: {  	s1 =	rddreg [dreg:$0x1];
	p0 =	sne.s32 s2, $0x0  }
0x98: {  	s3 =	rddreg [dreg:$0x2];
	[bflag:$0x3] =	sbarrier.arrive $0xFFFF;
	s2 =	simm.s32 @!p0 $0x1C02  }
0x99: {  	[timem:s3], [sflag:s2] =	dma.local @!p0 [hbm:s0], s1  }
0x9a: {  	s0 =	simm.s32 @!p0 $0x2  }
0x9b: {  	_ =	swait.ge @!p0 [sflag:s0], s1  }
0x9c: {  	s1 =	ssub.s32 @!p0 $0x0, s1;
	[sflag:s0] =	ssyncset.done @!p0 $0x0  }
0x9d: {  	[sflag:s0] =	ssyncadd.s32 @!p0 s1  }
0x9e: {  	[bflag:$0x3] =	sbarrier.arrive $0xFFFF  }
0x9f: {  	_ =	shalt  }

</sc_bundles>
